<compile_context>
chip_gen: v7x
topology: tpu7x:2x2x1
jax: 0.10.2.dev20260603
libtpu: 0.0.44.dev20260713+nightly
codegen_flags: <defaults>
</compile_context>

<pallas_src>
import functools

import jax
import jax.numpy as jnp
from jax import lax
from jax.experimental import pallas as pl
from jax.experimental.pallas import tpu as pltpu
from jax.experimental.pallas import tpu_sc as plsc

NC = 2
NS = 16
NW = NC * NS
BBLK = 128
VPAD = 128
TBLK = 8192
BT = 2048


def _transpose_pad_table(ttT):
    D, V = ttT.shape

    def body(in_ref, out_ref):
        out_ref[:, 0:D] = in_ref[...].T

    return pl.pallas_call(
        body,
        grid=(pl.cdiv(V, TBLK),),
        in_specs=[pl.BlockSpec((D, TBLK), lambda i: (0, i))],
        out_specs=pl.BlockSpec((TBLK, VPAD), lambda i: (i, 0)),
        out_shape=jax.ShapeDtypeStruct((V, VPAD), jnp.float32),
    )(ttT)


def _make_gather(T, B, D, T0, T1):
    mesh = plsc.VectorSubcoreMesh(core_axis_name="c", subcore_axis_name="s")
    PCOL = 256
    LANES = 16

    @functools.partial(
        pl.kernel,
        mesh=mesh,
        compiler_params=pltpu.CompilerParams(
            use_tc_tiling_on_sc=True, needs_layout_passes=False),
        out_type=jax.ShapeDtypeStruct((T, B, VPAD), jnp.float32),
        scratch_types=[
            pltpu.VMEM((T1 - T0, BBLK), jnp.int32),
            pltpu.VMEM((D, PCOL), jnp.float32),
            [pltpu.VMEM((BBLK, VPAD), jnp.float32)] * 2,
            [pltpu.SemaphoreType.DMA] * 2,
            [pltpu.SemaphoreType.DMA] * 2,
            pltpu.SemaphoreType.DMA,
        ],
    )
    def gat(xT_hbm, tt_hbm, posT_hbm, g_hbm, idx_v, pos_v, gbufs, gsems,
            osems, sem0):
        wid = lax.axis_index("s") * NC + lax.axis_index("c")
        bcol = pl.multiple_of(wid * BBLK, BBLK)

        cp_pos = pltpu.async_copy(posT_hbm.at[:, pl.ds(0, PCOL)], pos_v, sem0)
        cp_idx = pltpu.async_copy(
            xT_hbm.at[pl.ds(T0, T1 - T0), pl.ds(bcol, BBLK)], idx_v, sem0)
        cp_pos.wait()
        cp_idx.wait()

        iota = lax.iota(jnp.int32, LANES)
        fgrp = [iota + g * LANES for g in range(D // LANES)]

        def issue_gather(i, j):
            pltpu.async_copy(tt_hbm.at[idx_v.at[i]], gbufs[j], gsems[j])

        def wait_gather(i, j):
            pltpu.make_async_copy(
                tt_hbm.at[idx_v.at[i]], gbufs[j], gsems[j]).wait()

        def issue_out(i, j):
            pltpu.async_copy(
                gbufs[j], g_hbm.at[T0 + i, pl.ds(bcol, BBLK)], osems[j])

        def wait_out(i, j):
            pltpu.make_async_copy(
                gbufs[j], g_hbm.at[T0 + i, pl.ds(bcol, BBLK)],
                osems[j]).wait()

        issue_gather(0, 0)
        issue_gather(1, 1)

        N = T1 - T0

        @pl.loop(0, N, step=2)
        def _(i0):
            for j in range(2):
                i = i0 + j
                wait_gather(i, j)

                @pl.when(i >= 2)
                def _():
                    wait_out(i - 2, j)

                tvec = jnp.full((LANES,), T0 + i, jnp.int32)
                pchunk = [plsc.load_gather(pos_v, [fgrp[c], tvec])
                          for c in range(D // LANES)]

                @pl.loop(0, BBLK)
                def _(r):
                    for c in range(D // LANES):
                        plsc.addupdate(
                            gbufs[j].at[r, pl.ds(c * LANES, LANES)],
                            pchunk[c])

                issue_out(i, j)

                @pl.when(i + 2 < N)
                def _():
                    issue_gather(i + 2, j)

        wait_out(N - 2, 0)
        wait_out(N - 1, 1)

    return gat


def _transpose_out(g, D, out_buf, T0, T1):
    T, B, _ = g.shape
    NT = T1 - T0

    def body(*refs):
        g_ref, out_ref = refs[0], refs[-1]
        i0 = lax.broadcasted_iota(jnp.int32, (D, D), 0)
        i1 = lax.broadcasted_iota(jnp.int32, (D, D), 1)
        ident = (i0 == i1).astype(jnp.float32)
        out_ref[0] = lax.dot_general(
            ident, g_ref[0][:, 0:D],
            dimension_numbers=(((1,), (1,)), ((), ())),
            preferred_element_type=jnp.float32,
            precision=lax.Precision.DEFAULT)

    args = (g,) if out_buf is None else (g, out_buf)
    in_specs = [
        pl.BlockSpec((1, BT, VPAD), lambda t, b: (T0 + t, b, 0)),
    ]
    aliases = {}
    if out_buf is not None:
        in_specs.append(pl.BlockSpec((1, D, BT), lambda t, b: (T0 + t, 0, b)))
        aliases = {1: 0}

    return pl.pallas_call(
        body,
        grid=(NT, B // BT),
        in_specs=in_specs,
        out_specs=pl.BlockSpec((1, D, BT), lambda t, b: (T0 + t, 0, b)),
        out_shape=jax.ShapeDtypeStruct((T, D, B), jnp.float32),
        input_output_aliases=aliases,
    )(*args)


@jax.jit
def kernel(x, token_table, pos_table):
    B, T = x.shape
    V, D = token_table.shape

    xT = x.T
    posT = pos_table.T
    ttp = _transpose_pad_table(token_table.T)

    TH = (T // 2) & ~7
    g1 = _make_gather(T, B, D, 0, TH)(xT, ttp, posT)
    g2 = _make_gather(T, B, D, TH, T)(xT, ttp, posT)
    out_buf = _transpose_out(g1, D, None, 0, TH)
    out_buf = _transpose_out(g2, D, out_buf, TH, T)
    return out_buf.transpose(2, 0, 1)

# --- scband reference (transcript-rebuilt; emitter-appended) ---
"""Pipeline reference for scband-token-embedding-56977036148855 (READ-ONLY COPY).

The authoritative reference and input builder live on the scoring server;
editing this copy changes nothing except your own understanding.
"""

import jax, jax.numpy as jnp
import numpy as np

VOCAB = 1000000
D_MODEL = 64
MAX_LEN = 512
B = 4096
T = 200


def setup_inputs(seed: int = 0) -> dict:
    key = jax.random.key(seed)
    k_x, k_tok, k_pos = jax.random.split(key, 3)
    x = jax.random.randint(k_x, (B, T), 0, VOCAB, dtype=jnp.int32)
    # learned parameters (nn.Embedding default init ~ N(0,1))
    token_table = jax.random.normal(k_tok, (VOCAB, D_MODEL), dtype=jnp.float32)
    pos_table = jax.random.normal(k_pos, (MAX_LEN, D_MODEL), dtype=jnp.float32)
    return {"x": x, "token_table": token_table, "pos_table": pos_table}


def reference(x, token_table, pos_table):
    # x: (B, T) int -> (B, T, D_MODEL)
    Bx, Tx = x.shape
    tok = jnp.take(token_table, x, axis=0)                      # (B, T, D)
    positions = jnp.arange(Tx, dtype=jnp.int32)                 # (T,)
    pos = jnp.take(pos_table, positions, axis=0)[None, :, :]    # (1, T, D)
    return tok + pos

if __name__ == "__main__":
    import jax
    _d = setup_inputs()
    print(jax.jit(kernel)(*tuple(_d.values())))

</pallas_src>

<mosaic_0001>
#map = affine_map<(d0, d1) -> (0, 0)>
#map1 = affine_map<(d0, d1) -> (0, 0, 0)>
module attributes {stable_mosaic.version = 14 : i64} {
  func.func @gat(%arg0: i32, %arg1: i32, %arg2: memref<200x4096xi32, #tpu.memory_space<hbm>>, %arg3: memref<1000000x128xf32, #tpu.memory_space<hbm>>, %arg4: memref<64x512xf32, #tpu.memory_space<hbm>>, %arg5: memref<200x4096x128xf32, #tpu.memory_space<hbm>>, %arg6: memref<96x128xi32, #tpu.memory_space<vmem>>, %arg7: memref<64x256xf32, #tpu.memory_space<vmem>>, %arg8: memref<128x128xf32, #tpu.memory_space<vmem>>, %arg9: memref<128x128xf32, #tpu.memory_space<vmem>>, %arg10: memref<!tpu.dma_semaphore, #tpu.memory_space<semaphore_mem>>, %arg11: memref<!tpu.dma_semaphore, #tpu.memory_space<semaphore_mem>>, %arg12: memref<!tpu.dma_semaphore, #tpu.memory_space<semaphore_mem>>, %arg13: memref<!tpu.dma_semaphore, #tpu.memory_space<semaphore_mem>>, %arg14: memref<!tpu.dma_semaphore, #tpu.memory_space<semaphore_mem>>) attributes {dimension_semantics = [#tpu.dimension_semantics<core_parallel>, #tpu.dimension_semantics<subcore_parallel>], iteration_bounds = array<i64: 2, 16>, scalar_prefetch = 0 : i64, scratch_operands = 9 : i64, tpu.core_type = #tpu.core_type<sc_vector_subcore>, window_params = [{transform_indices = #map}, {transform_indices = #map}, {transform_indices = #map}, {transform_indices = #map1}]} {
    %mul3A = arith.constant 2 : i32
    %mul3A_0 = arith.muli %arg1, %mul3A : i32
    %add3A = arith.addi %mul3A_0, %arg0 : i32
    %mul3A_1 = arith.constant 128 : i32
    %mul3A_2 = arith.muli %add3A, %mul3A_1 : i32
    %multiple_of3A = tpu.assume_multiple %mul3A_2, 128 : i32
    %dma_start3A = arith.constant 0 : i32
    %dma_start3A_3 = arith.constant 0 : i32
    %dma_start3A_4 = tpu.memref_slice %arg4[%dma_start3A, %dma_start3A_3] : memref<64x512xf32, #tpu.memory_space<hbm>> -> memref<64x256xf32, #tpu.memory_space<hbm>>
    %dma_start3A_5 = arith.constant 0 : i32
    %dma_start3A_6 = arith.constant 0 : i32
    %dma_start3A_7 = tpu.memref_slice %arg4[%dma_start3A_5, %dma_start3A_6] : memref<64x512xf32, #tpu.memory_space<hbm>> -> memref<64x256xf32, #tpu.memory_space<hbm>>
    tpu.enqueue_dma source(%dma_start3A_7 : memref<64x256xf32, #tpu.memory_space<hbm>>) target(%arg7 : memref<64x256xf32, #tpu.memory_space<vmem>>) target_semaphore(%arg14 : memref<!tpu.dma_semaphore, #tpu.memory_space<semaphore_mem>>)
    %dma_start3A_8 = arith.constant 0 : i32
    %dma_start3A_9 = tpu.memref_slice %arg2[%dma_start3A_8, %multiple_of3A] : memref<200x4096xi32, #tpu.memory_space<hbm>> -> memref<96x128xi32, #tpu.memory_space<hbm>>
    %dma_start3A_10 = arith.constant 0 : i32
    %dma_start3A_11 = tpu.memref_slice %arg2[%dma_start3A_10, %multiple_of3A] : memref<200x4096xi32, #tpu.memory_space<hbm>> -> memref<96x128xi32, #tpu.memory_space<hbm>>
    tpu.enqueue_dma source(%dma_start3A_11 : memref<96x128xi32, #tpu.memory_space<hbm>>) target(%arg6 : memref<96x128xi32, #tpu.memory_space<vmem>>) target_semaphore(%arg14 : memref<!tpu.dma_semaphore, #tpu.memory_space<semaphore_mem>>)
    %dma_wait3A = arith.constant 0 : i32
    %dma_wait3A_12 = arith.constant 0 : i32
    %dma_wait3A_13 = tpu.memref_slice %arg4[%dma_wait3A, %dma_wait3A_12] : memref<64x512xf32, #tpu.memory_space<hbm>> -> memref<64x256xf32, #tpu.memory_space<hbm>>
    %dma_wait3A_14 = arith.constant 0 : i32
    %dma_wait3A_15 = arith.constant 0 : i32
    %dma_wait3A_16 = tpu.memref_slice %arg4[%dma_wait3A_14, %dma_wait3A_15] : memref<64x512xf32, #tpu.memory_space<hbm>> -> memref<64x256xf32, #tpu.memory_space<hbm>>
    tpu.wait_dma2 semaphore(%arg14 : memref<!tpu.dma_semaphore, #tpu.memory_space<semaphore_mem>>) src(%dma_wait3A_16 : memref<64x256xf32, #tpu.memory_space<hbm>>) dst(%arg7 : memref<64x256xf32, #tpu.memory_space<vmem>>)
    %dma_wait3A_17 = arith.constant 0 : i32
    %dma_wait3A_18 = tpu.memref_slice %arg2[%dma_wait3A_17, %multiple_of3A] : memref<200x4096xi32, #tpu.memory_space<hbm>> -> memref<96x128xi32, #tpu.memory_space<hbm>>
    %dma_wait3A_19 = arith.constant 0 : i32
    %dma_wait3A_20 = tpu.memref_slice %arg2[%dma_wait3A_19, %multiple_of3A] : memref<200x4096xi32, #tpu.memory_space<hbm>> -> memref<96x128xi32, #tpu.memory_space<hbm>>
    tpu.wait_dma2 semaphore(%arg14 : memref<!tpu.dma_semaphore, #tpu.memory_space<semaphore_mem>>) src(%dma_wait3A_20 : memref<96x128xi32, #tpu.memory_space<hbm>>) dst(%arg6 : memref<96x128xi32, #tpu.memory_space<vmem>>)
    %iota3A = tpu.iota {dimensions = array<i32: 0>} : vector<16xi32>
    %add3A_21 = arith.constant 0 : i32
    %add3A_22 = vector.broadcast %add3A_21 : i32 to vector<16xi32>
    %add3A_23 = arith.addi %iota3A, %add3A_22 : vector<16xi32>
    %add3A_24 = arith.constant 16 : i32
    %add3A_25 = vector.broadcast %add3A_24 : i32 to vector<16xi32>
    %add3A_26 = arith.addi %iota3A, %add3A_25 : vector<16xi32>
    %add3A_27 = arith.constant 32 : i32
    %add3A_28 = vector.broadcast %add3A_27 : i32 to vector<16xi32>
    %add3A_29 = arith.addi %iota3A, %add3A_28 : vector<16xi32>
    %add3A_30 = arith.constant 48 : i32
    %add3A_31 = vector.broadcast %add3A_30 : i32 to vector<16xi32>
    %add3A_32 = arith.addi %iota3A, %add3A_31 : vector<16xi32>
    %dma_start3A_33 = arith.constant 0 : i32
    %dma_start3A_34 = arith.constant 0 : i32
    %dma_start3A_35 = tpu.memref_slice %arg6[%dma_start3A_33, %dma_start3A_34] : memref<96x128xi32, #tpu.memory_space<vmem>> -> memref<1x128xi32, #tpu.memory_space<vmem>>
    %dma_start3A_36 = tpu.memref_squeeze %dma_start3A_35 : memref<1x128xi32, #tpu.memory_space<vmem>> -> memref<128xi32, #tpu.memory_space<vmem>>
    %dma_start3A_37 = arith.constant 0 : i32
    %dma_start3A_38 = arith.constant 0 : i32
    %dma_start3A_39 = tpu.memref_slice %arg3[%dma_start3A_37, %dma_start3A_38] : memref<1000000x128xf32, #tpu.memory_space<hbm>> -> memref<1000000x128xf32, #tpu.memory_space<hbm>>
    tpu.enqueue_indirect_dma source(%dma_start3A_39 : memref<1000000x128xf32, #tpu.memory_space<hbm>>) target(%arg8 : memref<128x128xf32, #tpu.memory_space<vmem>>) offsets(%dma_start3A_36 : memref<128xi32, #tpu.memory_space<vmem>>) semaphore(%arg10 : memref<!tpu.dma_semaphore, #tpu.memory_space<semaphore_mem>>)
    %dma_start3A_40 = arith.constant 1 : i32
    %dma_start3A_41 = arith.constant 0 : i32
    %dma_start3A_42 = tpu.memref_slice %arg6[%dma_start3A_40, %dma_start3A_41] : memref<96x128xi32, #tpu.memory_space<vmem>> -> memref<1x128xi32, #tpu.memory_space<vmem>>
    %dma_start3A_43 = tpu.memref_squeeze %dma_start3A_42 : memref<1x128xi32, #tpu.memory_space<vmem>> -> memref<128xi32, #tpu.memory_space<vmem>>
    %dma_start3A_44 = arith.constant 0 : i32
    %dma_start3A_45 = arith.constant 0 : i32
    %dma_start3A_46 = tpu.memref_slice %arg3[%dma_start3A_44, %dma_start3A_45] : memref<1000000x128xf32, #tpu.memory_space<hbm>> -> memref<1000000x128xf32, #tpu.memory_space<hbm>>
    tpu.enqueue_indirect_dma source(%dma_start3A_46 : memref<1000000x128xf32, #tpu.memory_space<hbm>>) target(%arg9 : memref<128x128xf32, #tpu.memory_space<vmem>>) offsets(%dma_start3A_43 : memref<128xi32, #tpu.memory_space<vmem>>) semaphore(%arg11 : memref<!tpu.dma_semaphore, #tpu.memory_space<semaphore_mem>>)
    %scan3A = arith.constant 0 : i32
    %scan3A_47 = arith.constant 48 : i32
    %scan3A_48 = arith.addi %scan3A, %scan3A_47 : i32
    %scan3A_49 = arith.constant 1 : i32
    scf.for %scan3A_65 = %scan3A to %scan3A_48 step %scan3A_49  : i32 {
      %mul3A_66 = arith.constant 2 : i32
      %mul3A_67 = arith.muli %scan3A_65, %mul3A_66 : i32
      %add3A_68 = arith.constant 0 : i32
      %add3A_69 = arith.addi %add3A_68, %mul3A_67 : i32
      %add3A_70 = arith.constant 0 : i32
      %add3A_71 = arith.addi %add3A_69, %add3A_70 : i32
      %dma_wait3A_72 = arith.constant 0 : i32
      %dma_wait3A_73 = tpu.memref_slice %arg6[%add3A_71, %dma_wait3A_72] : memref<96x128xi32, #tpu.memory_space<vmem>> -> memref<1x128xi32, #tpu.memory_space<vmem>>
      %dma_wait3A_74 = tpu.memref_squeeze %dma_wait3A_73 : memref<1x128xi32, #tpu.memory_space<vmem>> -> memref<128xi32, #tpu.memory_space<vmem>>
      %dma_wait3A_75 = arith.constant 0 : i32
      %dma_wait3A_76 = arith.constant 0 : i32
      %dma_wait3A_77 = tpu.memref_slice %arg3[%dma_wait3A_75, %dma_wait3A_76] : memref<1000000x128xf32, #tpu.memory_space<hbm>> -> memref<1000000x128xf32, #tpu.memory_space<hbm>>
      tpu.wait_indirect_dma semaphore(%arg10 : memref<!tpu.dma_semaphore, #tpu.memory_space<semaphore_mem>>) src(%dma_wait3A_77 : memref<1000000x128xf32, #tpu.memory_space<hbm>>) dst(%arg8 : memref<128x128xf32, #tpu.memory_space<vmem>>)
      %ge3A = arith.constant 2 : i32
      %ge3A_78 = arith.cmpi sge, %add3A_71, %ge3A : i32
      %convert_element_type3A = arith.extui %ge3A_78 : i1 to i32
      %cond3A = arith.constant 0 : i32
      %cond3A_79 = arith.cmpi ne, %convert_element_type3A, %cond3A : i32
      scf.if %cond3A_79 {
        %sub3A = arith.constant 2 : i32
        %sub3A_144 = arith.subi %add3A_71, %sub3A : i32
        %add3A_145 = arith.constant 0 : i32
        %add3A_146 = arith.addi %add3A_145, %sub3A_144 : i32
        %dma_wait3A_147 = arith.constant 0 : i32
        %dma_wait3A_148 = tpu.memref_slice %arg5[%add3A_146, %multiple_of3A, %dma_wait3A_147] : memref<200x4096x128xf32, #tpu.memory_space<hbm>> -> memref<1x128x128xf32, #tpu.memory_space<hbm>>
        %dma_wait3A_149 = tpu.memref_squeeze %dma_wait3A_148 : memref<1x128x128xf32, #tpu.memory_space<hbm>> -> memref<128x128xf32, #tpu.memory_space<hbm>>
        %dma_wait3A_150 = arith.constant 0 : i32
        %dma_wait3A_151 = tpu.memref_slice %arg5[%add3A_146, %multiple_of3A, %dma_wait3A_150] : memref<200x4096x128xf32, #tpu.memory_space<hbm>> -> memref<1x128x128xf32, #tpu.memory_space<hbm>>
        %dma_wait3A_152 = tpu.memref_squeeze %dma_wait3A_151 : memref<1x128x128xf32, #tpu.memory_space<hbm>> -> memref<128x128xf32, #tpu.memory_space<hbm>>
        tpu.wait_dma2 semaphore(%arg12 : memref<!tpu.dma_semaphore, #tpu.memory_space<semaphore_mem>>) src(%arg8 : memref<128x128xf32, #tpu.memory_space<vmem>>) dst(%dma_wait3A_152 : memref<128x128xf32, #tpu.memory_space<hbm>>)
      } else {
      }
      %add3A_80 = arith.constant 0 : i32
      %add3A_81 = arith.addi %add3A_80, %add3A_71 : i32
      %broadcast_in_dim3A = vector.broadcast %add3A_81 : i32 to vector<16xi32>
      %gather3A = tpu.vector_load_idx %arg7[%add3A_23, %broadcast_in_dim3A] : memref<64x256xf32, #tpu.memory_space<vmem>>[vector<16xi32>, vector<16xi32>], vector<16xf32>,
      %gather3A_82 = tpu.vector_load_idx %arg7[%add3A_26, %broadcast_in_dim3A] : memref<64x256xf32, #tpu.memory_space<vmem>>[vector<16xi32>, vector<16xi32>], vector<16xf32>,
      %gather3A_83 = tpu.vector_load_idx %arg7[%add3A_29, %broadcast_in_dim3A] : memref<64x256xf32, #tpu.memory_space<vmem>>[vector<16xi32>, vector<16xi32>], vector<16xf32>,
      %gather3A_84 = tpu.vector_load_idx %arg7[%add3A_32, %broadcast_in_dim3A] : memref<64x256xf32, #tpu.memory_space<vmem>>[vector<16xi32>, vector<16xi32>], vector<16xf32>,
      %scan3A_85 = arith.constant 0 : i32
      %scan3A_86 = arith.constant 128 : i32
      %scan3A_87 = arith.addi %scan3A_85, %scan3A_86 : i32
      %scan3A_88 = arith.constant 1 : i32
      scf.for %scan3A_144 = %scan3A_85 to %scan3A_87 step %scan3A_88  : i32 {
        %mul3A_145 = arith.constant 1 : i32
        %mul3A_146 = arith.muli %scan3A_144, %mul3A_145 : i32
        %add3A_147 = arith.constant 0 : i32
        %add3A_148 = arith.addi %add3A_147, %mul3A_146 : i32
        %swap3A = arith.index_cast %add3A_148 : i32 to index
        %swap3A_149 = arith.constant 0 : index
        %swap3A_150 = tpu.vector_load %arg8[%swap3A, %swap3A_149] {strides = array<i32>} : memref<128x128xf32, #tpu.memory_space<vmem>>, vector<16xf32>,
        tpu.vector_store %arg8[%swap3A, %swap3A_149], %gather3A {add = true, strides = array<i32>} : memref<128x128xf32, #tpu.memory_space<vmem>>, vector<16xf32>,
        %swap3A_151 = arith.index_cast %add3A_148 : i32 to index
        %swap3A_152 = arith.constant 16 : index
        %swap3A_153 = tpu.vector_load %arg8[%swap3A_151, %swap3A_152] {strides = array<i32>} : memref<128x128xf32, #tpu.memory_space<vmem>>, vector<16xf32>,
        tpu.vector_store %arg8[%swap3A_151, %swap3A_152], %gather3A_82 {add = true, strides = array<i32>} : memref<128x128xf32, #tpu.memory_space<vmem>>, vector<16xf32>,
        %swap3A_154 = arith.index_cast %add3A_148 : i32 to index
        %swap3A_155 = arith.constant 32 : index
        %swap3A_156 = tpu.vector_load %arg8[%swap3A_154, %swap3A_155] {strides = array<i32>} : memref<128x128xf32, #tpu.memory_space<vmem>>, vector<16xf32>,
        tpu.vector_store %arg8[%swap3A_154, %swap3A_155], %gather3A_83 {add = true, strides = array<i32>} : memref<128x128xf32, #tpu.memory_space<vmem>>, vector<16xf32>,
        %swap3A_157 = arith.index_cast %add3A_148 : i32 to index
        %swap3A_158 = arith.constant 48 : index
        %swap3A_159 = tpu.vector_load %arg8[%swap3A_157, %swap3A_158] {strides = array<i32>} : memref<128x128xf32, #tpu.memory_space<vmem>>, vector<16xf32>,
        tpu.vector_store %arg8[%swap3A_157, %swap3A_158], %gather3A_84 {add = true, strides = array<i32>} : memref<128x128xf32, #tpu.memory_space<vmem>>, vector<16xf32>,
      }
      %scan3A_89 = arith.constant 128 : i32
      %add3A_90 = arith.constant 0 : i32
      %add3A_91 = arith.addi %add3A_90, %add3A_71 : i32
      %dma_start3A_92 = arith.constant 0 : i32
      %dma_start3A_93 = tpu.memref_slice %arg5[%add3A_91, %multiple_of3A, %dma_start3A_92] : memref<200x4096x128xf32, #tpu.memory_space<hbm>> -> memref<1x128x128xf32, #tpu.memory_space<hbm>>
      %dma_start3A_94 = tpu.memref_squeeze %dma_start3A_93 : memref<1x128x128xf32, #tpu.memory_space<hbm>> -> memref<128x128xf32, #tpu.memory_space<hbm>>
      %dma_start3A_95 = arith.constant 0 : i32
      %dma_start3A_96 = tpu.memref_slice %arg5[%add3A_91, %multiple_of3A, %dma_start3A_95] : memref<200x4096x128xf32, #tpu.memory_space<hbm>> -> memref<1x128x128xf32, #tpu.memory_space<hbm>>
      %dma_start3A_97 = tpu.memref_squeeze %dma_start3A_96 : memref<1x128x128xf32, #tpu.memory_space<hbm>> -> memref<128x128xf32, #tpu.memory_space<hbm>>
      tpu.enqueue_dma source(%arg8 : memref<128x128xf32, #tpu.memory_space<vmem>>) target(%dma_start3A_97 : memref<128x128xf32, #tpu.memory_space<hbm>>) target_semaphore(%arg12 : memref<!tpu.dma_semaphore, #tpu.memory_space<semaphore_mem>>)
      %add3A_98 = arith.constant 2 : i32
      %add3A_99 = arith.addi %add3A_71, %add3A_98 : i32
      %lt3A = arith.constant 96 : i32
      %lt3A_100 = arith.cmpi slt, %add3A_99, %lt3A : i32
      %convert_element_type3A_101 = arith.extui %lt3A_100 : i1 to i32
      %cond3A_102 = arith.constant 0 : i32
      %cond3A_103 = arith.cmpi ne, %convert_element_type3A_101, %cond3A_102 : i32
      scf.if %cond3A_103 {
        %add3A_144 = arith.constant 2 : i32
        %add3A_145 = arith.addi %add3A_71, %add3A_144 : i32
        %dma_start3A_146 = arith.constant 0 : i32
        %dma_start3A_147 = tpu.memref_slice %arg6[%add3A_145, %dma_start3A_146] : memref<96x128xi32, #tpu.memory_space<vmem>> -> memref<1x128xi32, #tpu.memory_space<vmem>>
        %dma_start3A_148 = tpu.memref_squeeze %dma_start3A_147 : memref<1x128xi32, #tpu.memory_space<vmem>> -> memref<128xi32, #tpu.memory_space<vmem>>
        %dma_start3A_149 = arith.constant 0 : i32
        %dma_start3A_150 = arith.constant 0 : i32
        %dma_start3A_151 = tpu.memref_slice %arg3[%dma_start3A_149, %dma_start3A_150] : memref<1000000x128xf32, #tpu.memory_space<hbm>> -> memref<1000000x128xf32, #tpu.memory_space<hbm>>
        tpu.enqueue_indirect_dma source(%dma_start3A_151 : memref<1000000x128xf32, #tpu.memory_space<hbm>>) target(%arg8 : memref<128x128xf32, #tpu.memory_space<vmem>>) offsets(%dma_start3A_148 : memref<128xi32, #tpu.memory_space<vmem>>) semaphore(%arg10 : memref<!tpu.dma_semaphore, #tpu.memory_space<semaphore_mem>>)
      } else {
      }
      %add3A_104 = arith.constant 1 : i32
      %add3A_105 = arith.addi %add3A_69, %add3A_104 : i32
      %dma_wait3A_106 = arith.constant 0 : i32
      %dma_wait3A_107 = tpu.memref_slice %arg6[%add3A_105, %dma_wait3A_106] : memref<96x128xi32, #tpu.memory_space<vmem>> -> memref<1x128xi32, #tpu.memory_space<vmem>>
      %dma_wait3A_108 = tpu.memref_squeeze %dma_wait3A_107 : memref<1x128xi32, #tpu.memory_space<vmem>> -> memref<128xi32, #tpu.memory_space<vmem>>
      %dma_wait3A_109 = arith.constant 0 : i32
      %dma_wait3A_110 = arith.constant 0 : i32
      %dma_wait3A_111 = tpu.memref_slice %arg3[%dma_wait3A_109, %dma_wait3A_110] : memref<1000000x128xf32, #tpu.memory_space<hbm>> -> memref<1000000x128xf32, #tpu.memory_space<hbm>>
      tpu.wait_indirect_dma semaphore(%arg11 : memref<!tpu.dma_semaphore, #tpu.memory_space<semaphore_mem>>) src(%dma_wait3A_111 : memref<1000000x128xf32, #tpu.memory_space<hbm>>) dst(%arg9 : memref<128x128xf32, #tpu.memory_space<vmem>>)
      %ge3A_112 = arith.constant 2 : i32
      %ge3A_113 = arith.cmpi sge, %add3A_105, %ge3A_112 : i32
      %convert_element_type3A_114 = arith.extui %ge3A_113 : i1 to i32
      %cond3A_115 = arith.constant 0 : i32
      %cond3A_116 = arith.cmpi ne, %convert_element_type3A_114, %cond3A_115 : i32
      scf.if %cond3A_116 {
        %sub3A = arith.constant 2 : i32
        %sub3A_144 = arith.subi %add3A_105, %sub3A : i32
        %add3A_145 = arith.constant 0 : i32
        %add3A_146 = arith.addi %add3A_145, %sub3A_144 : i32
        %dma_wait3A_147 = arith.constant 0 : i32
        %dma_wait3A_148 = tpu.memref_slice %arg5[%add3A_146, %multiple_of3A, %dma_wait3A_147] : memref<200x4096x128xf32, #tpu.memory_space<hbm>> -> memref<1x128x128xf32, #tpu.memory_space<hbm>>
        %dma_wait3A_149 = tpu.memref_squeeze %dma_wait3A_148 : memref<1x128x128xf32, #tpu.memory_space<hbm>> -> memref<128x128xf32, #tpu.memory_space<hbm>>
        %dma_wait3A_150 = arith.constant 0 : i32
        %dma_wait3A_151 = tpu.memref_slice %arg5[%add3A_146, %multiple_of3A, %dma_wait3A_150] : memref<200x4096x128xf32, #tpu.memory_space<hbm>> -> memref<1x128x128xf32, #tpu.memory_space<hbm>>
        %dma_wait3A_152 = tpu.memref_squeeze %dma_wait3A_151 : memref<1x128x128xf32, #tpu.memory_space<hbm>> -> memref<128x128xf32, #tpu.memory_space<hbm>>
        tpu.wait_dma2 semaphore(%arg13 : memref<!tpu.dma_semaphore, #tpu.memory_space<semaphore_mem>>) src(%arg9 : memref<128x128xf32, #tpu.memory_space<vmem>>) dst(%dma_wait3A_152 : memref<128x128xf32, #tpu.memory_space<hbm>>)
      } else {
      }
      %add3A_117 = arith.constant 0 : i32
      %add3A_118 = arith.addi %add3A_117, %add3A_105 : i32
      %broadcast_in_dim3A_119 = vector.broadcast %add3A_118 : i32 to vector<16xi32>
      %gather3A_120 = tpu.vector_load_idx %arg7[%add3A_23, %broadcast_in_dim3A_119] : memref<64x256xf32, #tpu.memory_space<vmem>>[vector<16xi32>, vector<16xi32>], vector<16xf32>,
      %gather3A_121 = tpu.vector_load_idx %arg7[%add3A_26, %broadcast_in_dim3A_119] : memref<64x256xf32, #tpu.memory_space<vmem>>[vector<16xi32>, vector<16xi32>], vector<16xf32>,
      %gather3A_122 = tpu.vector_load_idx %arg7[%add3A_29, %broadcast_in_dim3A_119] : memref<64x256xf32, #tpu.memory_space<vmem>>[vector<16xi32>, vector<16xi32>], vector<16xf32>,
      %gather3A_123 = tpu.vector_load_idx %arg7[%add3A_32, %broadcast_in_dim3A_119] : memref<64x256xf32, #tpu.memory_space<vmem>>[vector<16xi32>, vector<16xi32>], vector<16xf32>,
      %scan3A_124 = arith.constant 0 : i32
      %scan3A_125 = arith.constant 128 : i32
      %scan3A_126 = arith.addi %scan3A_124, %scan3A_125 : i32
      %scan3A_127 = arith.constant 1 : i32
      scf.for %scan3A_144 = %scan3A_124 to %scan3A_126 step %scan3A_127  : i32 {
        %mul3A_145 = arith.constant 1 : i32
        %mul3A_146 = arith.muli %scan3A_144, %mul3A_145 : i32
        %add3A_147 = arith.constant 0 : i32
        %add3A_148 = arith.addi %add3A_147, %mul3A_146 : i32
        %swap3A = arith.index_cast %add3A_148 : i32 to index
        %swap3A_149 = arith.constant 0 : index
        %swap3A_150 = tpu.vector_load %arg9[%swap3A, %swap3A_149] {strides = array<i32>} : memref<128x128xf32, #tpu.memory_space<vmem>>, vector<16xf32>,
        tpu.vector_store %arg9[%swap3A, %swap3A_149], %gather3A_120 {add = true, strides = array<i32>} : memref<128x128xf32, #tpu.memory_space<vmem>>, vector<16xf32>,
        %swap3A_151 = arith.index_cast %add3A_148 : i32 to index
        %swap3A_152 = arith.constant 16 : index
        %swap3A_153 = tpu.vector_load %arg9[%swap3A_151, %swap3A_152] {strides = array<i32>} : memref<128x128xf32, #tpu.memory_space<vmem>>, vector<16xf32>,
        tpu.vector_store %arg9[%swap3A_151, %swap3A_152], %gather3A_121 {add = true, strides = array<i32>} : memref<128x128xf32, #tpu.memory_space<vmem>>, vector<16xf32>,
        %swap3A_154 = arith.index_cast %add3A_148 : i32 to index
        %swap3A_155 = arith.constant 32 : index
        %swap3A_156 = tpu.vector_load %arg9[%swap3A_154, %swap3A_155] {strides = array<i32>} : memref<128x128xf32, #tpu.memory_space<vmem>>, vector<16xf32>,
        tpu.vector_store %arg9[%swap3A_154, %swap3A_155], %gather3A_122 {add = true, strides = array<i32>} : memref<128x128xf32, #tpu.memory_space<vmem>>, vector<16xf32>,
        %swap3A_157 = arith.index_cast %add3A_148 : i32 to index
        %swap3A_158 = arith.constant 48 : index
        %swap3A_159 = tpu.vector_load %arg9[%swap3A_157, %swap3A_158] {strides = array<i32>} : memref<128x128xf32, #tpu.memory_space<vmem>>, vector<16xf32>,
        tpu.vector_store %arg9[%swap3A_157, %swap3A_158], %gather3A_123 {add = true, strides = array<i32>} : memref<128x128xf32, #tpu.memory_space<vmem>>, vector<16xf32>,
      }
      %scan3A_128 = arith.constant 128 : i32
      %add3A_129 = arith.constant 0 : i32
      %add3A_130 = arith.addi %add3A_129, %add3A_105 : i32
      %dma_start3A_131 = arith.constant 0 : i32
      %dma_start3A_132 = tpu.memref_slice %arg5[%add3A_130, %multiple_of3A, %dma_start3A_131] : memref<200x4096x128xf32, #tpu.memory_space<hbm>> -> memref<1x128x128xf32, #tpu.memory_space<hbm>>
      %dma_start3A_133 = tpu.memref_squeeze %dma_start3A_132 : memref<1x128x128xf32, #tpu.memory_space<hbm>> -> memref<128x128xf32, #tpu.memory_space<hbm>>
      %dma_start3A_134 = arith.constant 0 : i32
      %dma_start3A_135 = tpu.memref_slice %arg5[%add3A_130, %multiple_of3A, %dma_start3A_134] : memref<200x4096x128xf32, #tpu.memory_space<hbm>> -> memref<1x128x128xf32, #tpu.memory_space<hbm>>
      %dma_start3A_136 = tpu.memref_squeeze %dma_start3A_135 : memref<1x128x128xf32, #tpu.memory_space<hbm>> -> memref<128x128xf32, #tpu.memory_space<hbm>>
      tpu.enqueue_dma source(%arg9 : memref<128x128xf32, #tpu.memory_space<vmem>>) target(%dma_start3A_136 : memref<128x128xf32, #tpu.memory_space<hbm>>) target_semaphore(%arg13 : memref<!tpu.dma_semaphore, #tpu.memory_space<semaphore_mem>>)
      %add3A_137 = arith.constant 2 : i32
      %add3A_138 = arith.addi %add3A_105, %add3A_137 : i32
      %lt3A_139 = arith.constant 96 : i32
      %lt3A_140 = arith.cmpi slt, %add3A_138, %lt3A_139 : i32
      %convert_element_type3A_141 = arith.extui %lt3A_140 : i1 to i32
      %cond3A_142 = arith.constant 0 : i32
      %cond3A_143 = arith.cmpi ne, %convert_element_type3A_141, %cond3A_142 : i32
      scf.if %cond3A_143 {
        %add3A_144 = arith.constant 2 : i32
        %add3A_145 = arith.addi %add3A_105, %add3A_144 : i32
        %dma_start3A_146 = arith.constant 0 : i32
        %dma_start3A_147 = tpu.memref_slice %arg6[%add3A_145, %dma_start3A_146] : memref<96x128xi32, #tpu.memory_space<vmem>> -> memref<1x128xi32, #tpu.memory_space<vmem>>
        %dma_start3A_148 = tpu.memref_squeeze %dma_start3A_147 : memref<1x128xi32, #tpu.memory_space<vmem>> -> memref<128xi32, #tpu.memory_space<vmem>>
        %dma_start3A_149 = arith.constant 0 : i32
        %dma_start3A_150 = arith.constant 0 : i32
        %dma_start3A_151 = tpu.memref_slice %arg3[%dma_start3A_149, %dma_start3A_150] : memref<1000000x128xf32, #tpu.memory_space<hbm>> -> memref<1000000x128xf32, #tpu.memory_space<hbm>>
        tpu.enqueue_indirect_dma source(%dma_start3A_151 : memref<1000000x128xf32, #tpu.memory_space<hbm>>) target(%arg9 : memref<128x128xf32, #tpu.memory_space<vmem>>) offsets(%dma_start3A_148 : memref<128xi32, #tpu.memory_space<vmem>>) semaphore(%arg11 : memref<!tpu.dma_semaphore, #tpu.memory_space<semaphore_mem>>)
      } else {
      }
    }
    %scan3A_50 = arith.constant 48 : i32
    %dma_wait3A_51 = arith.constant 94 : i32
    %dma_wait3A_52 = arith.constant 0 : i32
    %dma_wait3A_53 = tpu.memref_slice %arg5[%dma_wait3A_51, %multiple_of3A, %dma_wait3A_52] : memref<200x4096x128xf32, #tpu.memory_space<hbm>> -> memref<1x128x128xf32, #tpu.memory_space<hbm>>
    %dma_wait3A_54 = tpu.memref_squeeze %dma_wait3A_53 : memref<1x128x128xf32, #tpu.memory_space<hbm>> -> memref<128x128xf32, #tpu.memory_space<hbm>>
    %dma_wait3A_55 = arith.constant 0 : i32
    %dma_wait3A_56 = tpu.memref_slice %arg5[%dma_wait3A_51, %multiple_of3A, %dma_wait3A_55] : memref<200x4096x128xf32, #tpu.memory_space<hbm>> -> memref<1x128x128xf32, #tpu.memory_space<hbm>>
    %dma_wait3A_57 = tpu.memref_squeeze %dma_wait3A_56 : memref<1x128x128xf32, #tpu.memory_space<hbm>> -> memref<128x128xf32, #tpu.memory_space<hbm>>
    tpu.wait_dma2 semaphore(%arg12 : memref<!tpu.dma_semaphore, #tpu.memory_space<semaphore_mem>>) src(%arg8 : memref<128x128xf32, #tpu.memory_space<vmem>>) dst(%dma_wait3A_57 : memref<128x128xf32, #tpu.memory_space<hbm>>)
    %dma_wait3A_58 = arith.constant 95 : i32
    %dma_wait3A_59 = arith.constant 0 : i32
    %dma_wait3A_60 = tpu.memref_slice %arg5[%dma_wait3A_58, %multiple_of3A, %dma_wait3A_59] : memref<200x4096x128xf32, #tpu.memory_space<hbm>> -> memref<1x128x128xf32, #tpu.memory_space<hbm>>
    %dma_wait3A_61 = tpu.memref_squeeze %dma_wait3A_60 : memref<1x128x128xf32, #tpu.memory_space<hbm>> -> memref<128x128xf32, #tpu.memory_space<hbm>>
    %dma_wait3A_62 = arith.constant 0 : i32
    %dma_wait3A_63 = tpu.memref_slice %arg5[%dma_wait3A_58, %multiple_of3A, %dma_wait3A_62] : memref<200x4096x128xf32, #tpu.memory_space<hbm>> -> memref<1x128x128xf32, #tpu.memory_space<hbm>>
    %dma_wait3A_64 = tpu.memref_squeeze %dma_wait3A_63 : memref<1x128x128xf32, #tpu.memory_space<hbm>> -> memref<128x128xf32, #tpu.memory_space<hbm>>
    tpu.wait_dma2 semaphore(%arg13 : memref<!tpu.dma_semaphore, #tpu.memory_space<semaphore_mem>>) src(%arg9 : memref<128x128xf32, #tpu.memory_space<vmem>>) dst(%dma_wait3A_64 : memref<128x128xf32, #tpu.memory_space<hbm>>)
    return
  }
}

#map = affine_map<(d0, d1) -> (0, 0)>
#map1 = affine_map<(d0, d1) -> (0, 0, 0)>
module attributes {stable_mosaic.version = 14 : i64} {
  func.func @gat(%arg0: i32, %arg1: i32, %arg2: memref<200x4096xi32, #tpu.memory_space<hbm>>, %arg3: memref<1000000x128xf32, #tpu.memory_space<hbm>>, %arg4: memref<64x512xf32, #tpu.memory_space<hbm>>, %arg5: memref<200x4096x128xf32, #tpu.memory_space<hbm>>, %arg6: memref<104x128xi32, #tpu.memory_space<vmem>>, %arg7: memref<64x256xf32, #tpu.memory_space<vmem>>, %arg8: memref<128x128xf32, #tpu.memory_space<vmem>>, %arg9: memref<128x128xf32, #tpu.memory_space<vmem>>, %arg10: memref<!tpu.dma_semaphore, #tpu.memory_space<semaphore_mem>>, %arg11: memref<!tpu.dma_semaphore, #tpu.memory_space<semaphore_mem>>, %arg12: memref<!tpu.dma_semaphore, #tpu.memory_space<semaphore_mem>>, %arg13: memref<!tpu.dma_semaphore, #tpu.memory_space<semaphore_mem>>, %arg14: memref<!tpu.dma_semaphore, #tpu.memory_space<semaphore_mem>>) attributes {dimension_semantics = [#tpu.dimension_semantics<core_parallel>, #tpu.dimension_semantics<subcore_parallel>], iteration_bounds = array<i64: 2, 16>, scalar_prefetch = 0 : i64, scratch_operands = 9 : i64, tpu.core_type = #tpu.core_type<sc_vector_subcore>, window_params = [{transform_indices = #map}, {transform_indices = #map}, {transform_indices = #map}, {transform_indices = #map1}]} {
    %mul3A = arith.constant 2 : i32
    %mul3A_0 = arith.muli %arg1, %mul3A : i32
    %add3A = arith.addi %mul3A_0, %arg0 : i32
    %mul3A_1 = arith.constant 128 : i32
    %mul3A_2 = arith.muli %add3A, %mul3A_1 : i32
    %multiple_of3A = tpu.assume_multiple %mul3A_2, 128 : i32
    %dma_start3A = arith.constant 0 : i32
    %dma_start3A_3 = arith.constant 0 : i32
    %dma_start3A_4 = tpu.memref_slice %arg4[%dma_start3A, %dma_start3A_3] : memref<64x512xf32, #tpu.memory_space<hbm>> -> memref<64x256xf32, #tpu.memory_space<hbm>>
    %dma_start3A_5 = arith.constant 0 : i32
    %dma_start3A_6 = arith.constant 0 : i32
    %dma_start3A_7 = tpu.memref_slice %arg4[%dma_start3A_5, %dma_start3A_6] : memref<64x512xf32, #tpu.memory_space<hbm>> -> memref<64x256xf32, #tpu.memory_space<hbm>>
    tpu.enqueue_dma source(%dma_start3A_7 : memref<64x256xf32, #tpu.memory_space<hbm>>) target(%arg7 : memref<64x256xf32, #tpu.memory_space<vmem>>) target_semaphore(%arg14 : memref<!tpu.dma_semaphore, #tpu.memory_space<semaphore_mem>>)
    %dma_start3A_8 = arith.constant 96 : i32
    %dma_start3A_9 = tpu.memref_slice %arg2[%dma_start3A_8, %multiple_of3A] : memref<200x4096xi32, #tpu.memory_space<hbm>> -> memref<104x128xi32, #tpu.memory_space<hbm>>
    %dma_start3A_10 = arith.constant 96 : i32
    %dma_start3A_11 = tpu.memref_slice %arg2[%dma_start3A_10, %multiple_of3A] : memref<200x4096xi32, #tpu.memory_space<hbm>> -> memref<104x128xi32, #tpu.memory_space<hbm>>
    tpu.enqueue_dma source(%dma_start3A_11 : memref<104x128xi32, #tpu.memory_space<hbm>>) target(%arg6 : memref<104x128xi32, #tpu.memory_space<vmem>>) target_semaphore(%arg14 : memref<!tpu.dma_semaphore, #tpu.memory_space<semaphore_mem>>)
    %dma_wait3A = arith.constant 0 : i32
    %dma_wait3A_12 = arith.constant 0 : i32
    %dma_wait3A_13 = tpu.memref_slice %arg4[%dma_wait3A, %dma_wait3A_12] : memref<64x512xf32, #tpu.memory_space<hbm>> -> memref<64x256xf32, #tpu.memory_space<hbm>>
    %dma_wait3A_14 = arith.constant 0 : i32
    %dma_wait3A_15 = arith.constant 0 : i32
    %dma_wait3A_16 = tpu.memref_slice %arg4[%dma_wait3A_14, %dma_wait3A_15] : memref<64x512xf32, #tpu.memory_space<hbm>> -> memref<64x256xf32, #tpu.memory_space<hbm>>
    tpu.wait_dma2 semaphore(%arg14 : memref<!tpu.dma_semaphore, #tpu.memory_space<semaphore_mem>>) src(%dma_wait3A_16 : memref<64x256xf32, #tpu.memory_space<hbm>>) dst(%arg7 : memref<64x256xf32, #tpu.memory_space<vmem>>)
    %dma_wait3A_17 = arith.constant 96 : i32
    %dma_wait3A_18 = tpu.memref_slice %arg2[%dma_wait3A_17, %multiple_of3A] : memref<200x4096xi32, #tpu.memory_space<hbm>> -> memref<104x128xi32, #tpu.memory_space<hbm>>
    %dma_wait3A_19 = arith.constant 96 : i32
    %dma_wait3A_20 = tpu.memref_slice %arg2[%dma_wait3A_19, %multiple_of3A] : memref<200x4096xi32, #tpu.memory_space<hbm>> -> memref<104x128xi32, #tpu.memory_space<hbm>>
    tpu.wait_dma2 semaphore(%arg14 : memref<!tpu.dma_semaphore, #tpu.memory_space<semaphore_mem>>) src(%dma_wait3A_20 : memref<104x128xi32, #tpu.memory_space<hbm>>) dst(%arg6 : memref<104x128xi32, #tpu.memory_space<vmem>>)
    %iota3A = tpu.iota {dimensions = array<i32: 0>} : vector<16xi32>
    %add3A_21 = arith.constant 0 : i32
    %add3A_22 = vector.broadcast %add3A_21 : i32 to vector<16xi32>
    %add3A_23 = arith.addi %iota3A, %add3A_22 : vector<16xi32>
    %add3A_24 = arith.constant 16 : i32
    %add3A_25 = vector.broadcast %add3A_24 : i32 to vector<16xi32>
    %add3A_26 = arith.addi %iota3A, %add3A_25 : vector<16xi32>
    %add3A_27 = arith.constant 32 : i32
    %add3A_28 = vector.broadcast %add3A_27 : i32 to vector<16xi32>
    %add3A_29 = arith.addi %iota3A, %add3A_28 : vector<16xi32>
    %add3A_30 = arith.constant 48 : i32
    %add3A_31 = vector.broadcast %add3A_30 : i32 to vector<16xi32>
    %add3A_32 = arith.addi %iota3A, %add3A_31 : vector<16xi32>
    %dma_start3A_33 = arith.constant 0 : i32
    %dma_start3A_34 = arith.constant 0 : i32
    %dma_start3A_35 = tpu.memref_slice %arg6[%dma_start3A_33, %dma_start3A_34] : memref<104x128xi32, #tpu.memory_space<vmem>> -> memref<1x128xi32, #tpu.memory_space<vmem>>
    %dma_start3A_36 = tpu.memref_squeeze %dma_start3A_35 : memref<1x128xi32, #tpu.memory_space<vmem>> -> memref<128xi32, #tpu.memory_space<vmem>>
    %dma_start3A_37 = arith.constant 0 : i32
    %dma_start3A_38 = arith.constant 0 : i32
    %dma_start3A_39 = tpu.memref_slice %arg3[%dma_start3A_37, %dma_start3A_38] : memref<1000000x128xf32, #tpu.memory_space<hbm>> -> memref<1000000x128xf32, #tpu.memory_space<hbm>>
    tpu.enqueue_indirect_dma source(%dma_start3A_39 : memref<1000000x128xf32, #tpu.memory_space<hbm>>) target(%arg8 : memref<128x128xf32, #tpu.memory_space<vmem>>) offsets(%dma_start3A_36 : memref<128xi32, #tpu.memory_space<vmem>>) semaphore(%arg10 : memref<!tpu.dma_semaphore, #tpu.memory_space<semaphore_mem>>)
    %dma_start3A_40 = arith.constant 1 : i32
    %dma_start3A_41 = arith.constant 0 : i32
    %dma_start3A_42 = tpu.memref_slice %arg6[%dma_start3A_40, %dma_start3A_41] : memref<104x128xi32, #tpu.memory_space<vmem>> -> memref<1x128xi32, #tpu.memory_space<vmem>>
    %dma_start3A_43 = tpu.memref_squeeze %dma_start3A_42 : memref<1x128xi32, #tpu.memory_space<vmem>> -> memref<128xi32, #tpu.memory_space<vmem>>
    %dma_start3A_44 = arith.constant 0 : i32
    %dma_start3A_45 = arith.constant 0 : i32
    %dma_start3A_46 = tpu.memref_slice %arg3[%dma_start3A_44, %dma_start3A_45] : memref<1000000x128xf32, #tpu.memory_space<hbm>> -> memref<1000000x128xf32, #tpu.memory_space<hbm>>
    tpu.enqueue_indirect_dma source(%dma_start3A_46 : memref<1000000x128xf32, #tpu.memory_space<hbm>>) target(%arg9 : memref<128x128xf32, #tpu.memory_space<vmem>>) offsets(%dma_start3A_43 : memref<128xi32, #tpu.memory_space<vmem>>) semaphore(%arg11 : memref<!tpu.dma_semaphore, #tpu.memory_space<semaphore_mem>>)
    %scan3A = arith.constant 0 : i32
    %scan3A_47 = arith.constant 52 : i32
    %scan3A_48 = arith.addi %scan3A, %scan3A_47 : i32
    %scan3A_49 = arith.constant 1 : i32
    scf.for %scan3A_65 = %scan3A to %scan3A_48 step %scan3A_49  : i32 {
      %mul3A_66 = arith.constant 2 : i32
      %mul3A_67 = arith.muli %scan3A_65, %mul3A_66 : i32
      %add3A_68 = arith.constant 0 : i32
      %add3A_69 = arith.addi %add3A_68, %mul3A_67 : i32
      %add3A_70 = arith.constant 0 : i32
      %add3A_71 = arith.addi %add3A_69, %add3A_70 : i32
      %dma_wait3A_72 = arith.constant 0 : i32
      %dma_wait3A_73 = tpu.memref_slice %arg6[%add3A_71, %dma_wait3A_72] : memref<104x128xi32, #tpu.memory_space<vmem>> -> memref<1x128xi32, #tpu.memory_space<vmem>>
      %dma_wait3A_74 = tpu.memref_squeeze %dma_wait3A_73 : memref<1x128xi32, #tpu.memory_space<vmem>> -> memref<128xi32, #tpu.memory_space<vmem>>
      %dma_wait3A_75 = arith.constant 0 : i32
      %dma_wait3A_76 = arith.constant 0 : i32
      %dma_wait3A_77 = tpu.memref_slice %arg3[%dma_wait3A_75, %dma_wait3A_76] : memref<1000000x128xf32, #tpu.memory_space<hbm>> -> memref<1000000x128xf32, #tpu.memory_space<hbm>>
      tpu.wait_indirect_dma semaphore(%arg10 : memref<!tpu.dma_semaphore, #tpu.memory_space<semaphore_mem>>) src(%dma_wait3A_77 : memref<1000000x128xf32, #tpu.memory_space<hbm>>) dst(%arg8 : memref<128x128xf32, #tpu.memory_space<vmem>>)
      %ge3A = arith.constant 2 : i32
      %ge3A_78 = arith.cmpi sge, %add3A_71, %ge3A : i32
      %convert_element_type3A = arith.extui %ge3A_78 : i1 to i32
      %cond3A = arith.constant 0 : i32
      %cond3A_79 = arith.cmpi ne, %convert_element_type3A, %cond3A : i32
      scf.if %cond3A_79 {
        %sub3A = arith.constant 2 : i32
        %sub3A_144 = arith.subi %add3A_71, %sub3A : i32
        %add3A_145 = arith.constant 96 : i32
        %add3A_146 = arith.addi %add3A_145, %sub3A_144 : i32
        %dma_wait3A_147 = arith.constant 0 : i32
        %dma_wait3A_148 = tpu.memref_slice %arg5[%add3A_146, %multiple_of3A, %dma_wait3A_147] : memref<200x4096x128xf32, #tpu.memory_space<hbm>> -> memref<1x128x128xf32, #tpu.memory_space<hbm>>
        %dma_wait3A_149 = tpu.memref_squeeze %dma_wait3A_148 : memref<1x128x128xf32, #tpu.memory_space<hbm>> -> memref<128x128xf32, #tpu.memory_space<hbm>>
        %dma_wait3A_150 = arith.constant 0 : i32
        %dma_wait3A_151 = tpu.memref_slice %arg5[%add3A_146, %multiple_of3A, %dma_wait3A_150] : memref<200x4096x128xf32, #tpu.memory_space<hbm>> -> memref<1x128x128xf32, #tpu.memory_space<hbm>>
        %dma_wait3A_152 = tpu.memref_squeeze %dma_wait3A_151 : memref<1x128x128xf32, #tpu.memory_space<hbm>> -> memref<128x128xf32, #tpu.memory_space<hbm>>
        tpu.wait_dma2 semaphore(%arg12 : memref<!tpu.dma_semaphore, #tpu.memory_space<semaphore_mem>>) src(%arg8 : memref<128x128xf32, #tpu.memory_space<vmem>>) dst(%dma_wait3A_152 : memref<128x128xf32, #tpu.memory_space<hbm>>)
      } else {
      }
      %add3A_80 = arith.constant 96 : i32
      %add3A_81 = arith.addi %add3A_80, %add3A_71 : i32
      %broadcast_in_dim3A = vector.broadcast %add3A_81 : i32 to vector<16xi32>
      %gather3A = tpu.vector_load_idx %arg7[%add3A_23, %broadcast_in_dim3A] : memref<64x256xf32, #tpu.memory_space<vmem>>[vector<16xi32>, vector<16xi32>], vector<16xf32>,
      %gather3A_82 = tpu.vector_load_idx %arg7[%add3A_26, %broadcast_in_dim3A] : memref<64x256xf32, #tpu.memory_space<vmem>>[vector<16xi32>, vector<16xi32>], vector<16xf32>,
      %gather3A_83 = tpu.vector_load_idx %arg7[%add3A_29, %broadcast_in_dim3A] : memref<64x256xf32, #tpu.memory_space<vmem>>[vector<16xi32>, vector<16xi32>], vector<16xf32>,
      %gather3A_84 = tpu.vector_load_idx %arg7[%add3A_32, %broadcast_in_dim3A] : memref<64x256xf32, #tpu.memory_space<vmem>>[vector<16xi32>, vector<16xi32>], vector<16xf32>,
      %scan3A_85 = arith.constant 0 : i32
      %scan3A_86 = arith.constant 128 : i32
      %scan3A_87 = arith.addi %scan3A_85, %scan3A_86 : i32
      %scan3A_88 = arith.constant 1 : i32
      scf.for %scan3A_144 = %scan3A_85 to %scan3A_87 step %scan3A_88  : i32 {
        %mul3A_145 = arith.constant 1 : i32
        %mul3A_146 = arith.muli %scan3A_144, %mul3A_145 : i32
        %add3A_147 = arith.constant 0 : i32
        %add3A_148 = arith.addi %add3A_147, %mul3A_146 : i32
        %swap3A = arith.index_cast %add3A_148 : i32 to index
        %swap3A_149 = arith.constant 0 : index
        %swap3A_150 = tpu.vector_load %arg8[%swap3A, %swap3A_149] {strides = array<i32>} : memref<128x128xf32, #tpu.memory_space<vmem>>, vector<16xf32>,
        tpu.vector_store %arg8[%swap3A, %swap3A_149], %gather3A {add = true, strides = array<i32>} : memref<128x128xf32, #tpu.memory_space<vmem>>, vector<16xf32>,
        %swap3A_151 = arith.index_cast %add3A_148 : i32 to index
        %swap3A_152 = arith.constant 16 : index
        %swap3A_153 = tpu.vector_load %arg8[%swap3A_151, %swap3A_152] {strides = array<i32>} : memref<128x128xf32, #tpu.memory_space<vmem>>, vector<16xf32>,
        tpu.vector_store %arg8[%swap3A_151, %swap3A_152], %gather3A_82 {add = true, strides = array<i32>} : memref<128x128xf32, #tpu.memory_space<vmem>>, vector<16xf32>,
        %swap3A_154 = arith.index_cast %add3A_148 : i32 to index
        %swap3A_155 = arith.constant 32 : index
        %swap3A_156 = tpu.vector_load %arg8[%swap3A_154, %swap3A_155] {strides = array<i32>} : memref<128x128xf32, #tpu.memory_space<vmem>>, vector<16xf32>,
        tpu.vector_store %arg8[%swap3A_154, %swap3A_155], %gather3A_83 {add = true, strides = array<i32>} : memref<128x128xf32, #tpu.memory_space<vmem>>, vector<16xf32>,
        %swap3A_157 = arith.index_cast %add3A_148 : i32 to index
        %swap3A_158 = arith.constant 48 : index
        %swap3A_159 = tpu.vector_load %arg8[%swap3A_157, %swap3A_158] {strides = array<i32>} : memref<128x128xf32, #tpu.memory_space<vmem>>, vector<16xf32>,
        tpu.vector_store %arg8[%swap3A_157, %swap3A_158], %gather3A_84 {add = true, strides = array<i32>} : memref<128x128xf32, #tpu.memory_space<vmem>>, vector<16xf32>,
      }
      %scan3A_89 = arith.constant 128 : i32
      %add3A_90 = arith.constant 96 : i32
      %add3A_91 = arith.addi %add3A_90, %add3A_71 : i32
      %dma_start3A_92 = arith.constant 0 : i32
      %dma_start3A_93 = tpu.memref_slice %arg5[%add3A_91, %multiple_of3A, %dma_start3A_92] : memref<200x4096x128xf32, #tpu.memory_space<hbm>> -> memref<1x128x128xf32, #tpu.memory_space<hbm>>
      %dma_start3A_94 = tpu.memref_squeeze %dma_start3A_93 : memref<1x128x128xf32, #tpu.memory_space<hbm>> -> memref<128x128xf32, #tpu.memory_space<hbm>>
      %dma_start3A_95 = arith.constant 0 : i32
      %dma_start3A_96 = tpu.memref_slice %arg5[%add3A_91, %multiple_of3A, %dma_start3A_95] : memref<200x4096x128xf32, #tpu.memory_space<hbm>> -> memref<1x128x128xf32, #tpu.memory_space<hbm>>
      %dma_start3A_97 = tpu.memref_squeeze %dma_start3A_96 : memref<1x128x128xf32, #tpu.memory_space<hbm>> -> memref<128x128xf32, #tpu.memory_space<hbm>>
      tpu.enqueue_dma source(%arg8 : memref<128x128xf32, #tpu.memory_space<vmem>>) target(%dma_start3A_97 : memref<128x128xf32, #tpu.memory_space<hbm>>) target_semaphore(%arg12 : memref<!tpu.dma_semaphore, #tpu.memory_space<semaphore_mem>>)
      %add3A_98 = arith.constant 2 : i32
      %add3A_99 = arith.addi %add3A_71, %add3A_98 : i32
      %lt3A = arith.constant 104 : i32
      %lt3A_100 = arith.cmpi slt, %add3A_99, %lt3A : i32
      %convert_element_type3A_101 = arith.extui %lt3A_100 : i1 to i32
      %cond3A_102 = arith.constant 0 : i32
      %cond3A_103 = arith.cmpi ne, %convert_element_type3A_101, %cond3A_102 : i32
      scf.if %cond3A_103 {
        %add3A_144 = arith.constant 2 : i32
        %add3A_145 = arith.addi %add3A_71, %add3A_144 : i32
        %dma_start3A_146 = arith.constant 0 : i32
        %dma_start3A_147 = tpu.memref_slice %arg6[%add3A_145, %dma_start3A_146] : memref<104x128xi32, #tpu.memory_space<vmem>> -> memref<1x128xi32, #tpu.memory_space<vmem>>
        %dma_start3A_148 = tpu.memref_squeeze %dma_start3A_147 : memref<1x128xi32, #tpu.memory_space<vmem>> -> memref<128xi32, #tpu.memory_space<vmem>>
        %dma_start3A_149 = arith.constant 0 : i32
        %dma_start3A_150 = arith.constant 0 : i32
        %dma_start3A_151 = tpu.memref_slice %arg3[%dma_start3A_149, %dma_start3A_150] : memref<1000000x128xf32, #tpu.memory_space<hbm>> -> memref<1000000x128xf32, #tpu.memory_space<hbm>>
        tpu.enqueue_indirect_dma source(%dma_start3A_151 : memref<1000000x128xf32, #tpu.memory_space<hbm>>) target(%arg8 : memref<128x128xf32, #tpu.memory_space<vmem>>) offsets(%dma_start3A_148 : memref<128xi32, #tpu.memory_space<vmem>>) semaphore(%arg10 : memref<!tpu.dma_semaphore, #tpu.memory_space<semaphore_mem>>)
      } else {
      }
      %add3A_104 = arith.constant 1 : i32
      %add3A_105 = arith.addi %add3A_69, %add3A_104 : i32
      %dma_wait3A_106 = arith.constant 0 : i32
      %dma_wait3A_107 = tpu.memref_slice %arg6[%add3A_105, %dma_wait3A_106] : memref<104x128xi32, #tpu.memory_space<vmem>> -> memref<1x128xi32, #tpu.memory_space<vmem>>
      %dma_wait3A_108 = tpu.memref_squeeze %dma_wait3A_107 : memref<1x128xi32, #tpu.memory_space<vmem>> -> memref<128xi32, #tpu.memory_space<vmem>>
      %dma_wait3A_109 = arith.constant 0 : i32
      %dma_wait3A_110 = arith.constant 0 : i32
      %dma_wait3A_111 = tpu.memref_slice %arg3[%dma_wait3A_109, %dma_wait3A_110] : memref<1000000x128xf32, #tpu.memory_space<hbm>> -> memref<1000000x128xf32, #tpu.memory_space<hbm>>
      tpu.wait_indirect_dma semaphore(%arg11 : memref<!tpu.dma_semaphore, #tpu.memory_space<semaphore_mem>>) src(%dma_wait3A_111 : memref<1000000x128xf32, #tpu.memory_space<hbm>>) dst(%arg9 : memref<128x128xf32, #tpu.memory_space<vmem>>)
      %ge3A_112 = arith.constant 2 : i32
      %ge3A_113 = arith.cmpi sge, %add3A_105, %ge3A_112 : i32
      %convert_element_type3A_114 = arith.extui %ge3A_113 : i1 to i32
      %cond3A_115 = arith.constant 0 : i32
      %cond3A_116 = arith.cmpi ne, %convert_element_type3A_114, %cond3A_115 : i32
      scf.if %cond3A_116 {
        %sub3A = arith.constant 2 : i32
        %sub3A_144 = arith.subi %add3A_105, %sub3A : i32
        %add3A_145 = arith.constant 96 : i32
        %add3A_146 = arith.addi %add3A_145, %sub3A_144 : i32
        %dma_wait3A_147 = arith.constant 0 : i32
        %dma_wait3A_148 = tpu.memref_slice %arg5[%add3A_146, %multiple_of3A, %dma_wait3A_147] : memref<200x4096x128xf32, #tpu.memory_space<hbm>> -> memref<1x128x128xf32, #tpu.memory_space<hbm>>
        %dma_wait3A_149 = tpu.memref_squeeze %dma_wait3A_148 : memref<1x128x128xf32, #tpu.memory_space<hbm>> -> memref<128x128xf32, #tpu.memory_space<hbm>>
        %dma_wait3A_150 = arith.constant 0 : i32
        %dma_wait3A_151 = tpu.memref_slice %arg5[%add3A_146, %multiple_of3A, %dma_wait3A_150] : memref<200x4096x128xf32, #tpu.memory_space<hbm>> -> memref<1x128x128xf32, #tpu.memory_space<hbm>>
        %dma_wait3A_152 = tpu.memref_squeeze %dma_wait3A_151 : memref<1x128x128xf32, #tpu.memory_space<hbm>> -> memref<128x128xf32, #tpu.memory_space<hbm>>
        tpu.wait_dma2 semaphore(%arg13 : memref<!tpu.dma_semaphore, #tpu.memory_space<semaphore_mem>>) src(%arg9 : memref<128x128xf32, #tpu.memory_space<vmem>>) dst(%dma_wait3A_152 : memref<128x128xf32, #tpu.memory_space<hbm>>)
      } else {
      }
      %add3A_117 = arith.constant 96 : i32
      %add3A_118 = arith.addi %add3A_117, %add3A_105 : i32
      %broadcast_in_dim3A_119 = vector.broadcast %add3A_118 : i32 to vector<16xi32>
      %gather3A_120 = tpu.vector_load_idx %arg7[%add3A_23, %broadcast_in_dim3A_119] : memref<64x256xf32, #tpu.memory_space<vmem>>[vector<16xi32>, vector<16xi32>], vector<16xf32>,
      %gather3A_121 = tpu.vector_load_idx %arg7[%add3A_26, %broadcast_in_dim3A_119] : memref<64x256xf32, #tpu.memory_space<vmem>>[vector<16xi32>, vector<16xi32>], vector<16xf32>,
      %gather3A_122 = tpu.vector_load_idx %arg7[%add3A_29, %broadcast_in_dim3A_119] : memref<64x256xf32, #tpu.memory_space<vmem>>[vector<16xi32>, vector<16xi32>], vector<16xf32>,
      %gather3A_123 = tpu.vector_load_idx %arg7[%add3A_32, %broadcast_in_dim3A_119] : memref<64x256xf32, #tpu.memory_space<vmem>>[vector<16xi32>, vector<16xi32>], vector<16xf32>,
      %scan3A_124 = arith.constant 0 : i32
      %scan3A_125 = arith.constant 128 : i32
      %scan3A_126 = arith.addi %scan3A_124, %scan3A_125 : i32
      %scan3A_127 = arith.constant 1 : i32
      scf.for %scan3A_144 = %scan3A_124 to %scan3A_126 step %scan3A_127  : i32 {
        %mul3A_145 = arith.constant 1 : i32
        %mul3A_146 = arith.muli %scan3A_144, %mul3A_145 : i32
        %add3A_147 = arith.constant 0 : i32
        %add3A_148 = arith.addi %add3A_147, %mul3A_146 : i32
        %swap3A = arith.index_cast %add3A_148 : i32 to index
        %swap3A_149 = arith.constant 0 : index
        %swap3A_150 = tpu.vector_load %arg9[%swap3A, %swap3A_149] {strides = array<i32>} : memref<128x128xf32, #tpu.memory_space<vmem>>, vector<16xf32>,
        tpu.vector_store %arg9[%swap3A, %swap3A_149], %gather3A_120 {add = true, strides = array<i32>} : memref<128x128xf32, #tpu.memory_space<vmem>>, vector<16xf32>,
        %swap3A_151 = arith.index_cast %add3A_148 : i32 to index
        %swap3A_152 = arith.constant 16 : index
        %swap3A_153 = tpu.vector_load %arg9[%swap3A_151, %swap3A_152] {strides = array<i32>} : memref<128x128xf32, #tpu.memory_space<vmem>>, vector<16xf32>,
        tpu.vector_store %arg9[%swap3A_151, %swap3A_152], %gather3A_121 {add = true, strides = array<i32>} : memref<128x128xf32, #tpu.memory_space<vmem>>, vector<16xf32>,
        %swap3A_154 = arith.index_cast %add3A_148 : i32 to index
        %swap3A_155 = arith.constant 32 : index
        %swap3A_156 = tpu.vector_load %arg9[%swap3A_154, %swap3A_155] {strides = array<i32>} : memref<128x128xf32, #tpu.memory_space<vmem>>, vector<16xf32>,
        tpu.vector_store %arg9[%swap3A_154, %swap3A_155], %gather3A_122 {add = true, strides = array<i32>} : memref<128x128xf32, #tpu.memory_space<vmem>>, vector<16xf32>,
        %swap3A_157 = arith.index_cast %add3A_148 : i32 to index
        %swap3A_158 = arith.constant 48 : index
        %swap3A_159 = tpu.vector_load %arg9[%swap3A_157, %swap3A_158] {strides = array<i32>} : memref<128x128xf32, #tpu.memory_space<vmem>>, vector<16xf32>,
        tpu.vector_store %arg9[%swap3A_157, %swap3A_158], %gather3A_123 {add = true, strides = array<i32>} : memref<128x128xf32, #tpu.memory_space<vmem>>, vector<16xf32>,
      }
      %scan3A_128 = arith.constant 128 : i32
      %add3A_129 = arith.constant 96 : i32
      %add3A_130 = arith.addi %add3A_129, %add3A_105 : i32
      %dma_start3A_131 = arith.constant 0 : i32
      %dma_start3A_132 = tpu.memref_slice %arg5[%add3A_130, %multiple_of3A, %dma_start3A_131] : memref<200x4096x128xf32, #tpu.memory_space<hbm>> -> memref<1x128x128xf32, #tpu.memory_space<hbm>>
      %dma_start3A_133 = tpu.memref_squeeze %dma_start3A_132 : memref<1x128x128xf32, #tpu.memory_space<hbm>> -> memref<128x128xf32, #tpu.memory_space<hbm>>
      %dma_start3A_134 = arith.constant 0 : i32
      %dma_start3A_135 = tpu.memref_slice %arg5[%add3A_130, %multiple_of3A, %dma_start3A_134] : memref<200x4096x128xf32, #tpu.memory_space<hbm>> -> memref<1x128x128xf32, #tpu.memory_space<hbm>>
      %dma_start3A_136 = tpu.memref_squeeze %dma_start3A_135 : memref<1x128x128xf32, #tpu.memory_space<hbm>> -> memref<128x128xf32, #tpu.memory_space<hbm>>
      tpu.enqueue_dma source(%arg9 : memref<128x128xf32, #tpu.memory_space<vmem>>) target(%dma_start3A_136 : memref<128x128xf32, #tpu.memory_space<hbm>>) target_semaphore(%arg13 : memref<!tpu.dma_semaphore, #tpu.memory_space<semaphore_mem>>)
      %add3A_137 = arith.constant 2 : i32
      %add3A_138 = arith.addi %add3A_105, %add3A_137 : i32
      %lt3A_139 = arith.constant 104 : i32
      %lt3A_140 = arith.cmpi slt, %add3A_138, %lt3A_139 : i32
      %convert_element_type3A_141 = arith.extui %lt3A_140 : i1 to i32
      %cond3A_142 = arith.constant 0 : i32
      %cond3A_143 = arith.cmpi ne, %convert_element_type3A_141, %cond3A_142 : i32
      scf.if %cond3A_143 {
        %add3A_144 = arith.constant 2 : i32
        %add3A_145 = arith.addi %add3A_105, %add3A_144 : i32
        %dma_start3A_146 = arith.constant 0 : i32
        %dma_start3A_147 = tpu.memref_slice %arg6[%add3A_145, %dma_start3A_146] : memref<104x128xi32, #tpu.memory_space<vmem>> -> memref<1x128xi32, #tpu.memory_space<vmem>>
        %dma_start3A_148 = tpu.memref_squeeze %dma_start3A_147 : memref<1x128xi32, #tpu.memory_space<vmem>> -> memref<128xi32, #tpu.memory_space<vmem>>
        %dma_start3A_149 = arith.constant 0 : i32
        %dma_start3A_150 = arith.constant 0 : i32
        %dma_start3A_151 = tpu.memref_slice %arg3[%dma_start3A_149, %dma_start3A_150] : memref<1000000x128xf32, #tpu.memory_space<hbm>> -> memref<1000000x128xf32, #tpu.memory_space<hbm>>
        tpu.enqueue_indirect_dma source(%dma_start3A_151 : memref<1000000x128xf32, #tpu.memory_space<hbm>>) target(%arg9 : memref<128x128xf32, #tpu.memory_space<vmem>>) offsets(%dma_start3A_148 : memref<128xi32, #tpu.memory_space<vmem>>) semaphore(%arg11 : memref<!tpu.dma_semaphore, #tpu.memory_space<semaphore_mem>>)
      } else {
      }
    }
    %scan3A_50 = arith.constant 52 : i32
    %dma_wait3A_51 = arith.constant 198 : i32
    %dma_wait3A_52 = arith.constant 0 : i32
    %dma_wait3A_53 = tpu.memref_slice %arg5[%dma_wait3A_51, %multiple_of3A, %dma_wait3A_52] : memref<200x4096x128xf32, #tpu.memory_space<hbm>> -> memref<1x128x128xf32, #tpu.memory_space<hbm>>
    %dma_wait3A_54 = tpu.memref_squeeze %dma_wait3A_53 : memref<1x128x128xf32, #tpu.memory_space<hbm>> -> memref<128x128xf32, #tpu.memory_space<hbm>>
    %dma_wait3A_55 = arith.constant 0 : i32
    %dma_wait3A_56 = tpu.memref_slice %arg5[%dma_wait3A_51, %multiple_of3A, %dma_wait3A_55] : memref<200x4096x128xf32, #tpu.memory_space<hbm>> -> memref<1x128x128xf32, #tpu.memory_space<hbm>>
    %dma_wait3A_57 = tpu.memref_squeeze %dma_wait3A_56 : memref<1x128x128xf32, #tpu.memory_space<hbm>> -> memref<128x128xf32, #tpu.memory_space<hbm>>
    tpu.wait_dma2 semaphore(%arg12 : memref<!tpu.dma_semaphore, #tpu.memory_space<semaphore_mem>>) src(%arg8 : memref<128x128xf32, #tpu.memory_space<vmem>>) dst(%dma_wait3A_57 : memref<128x128xf32, #tpu.memory_space<hbm>>)
    %dma_wait3A_58 = arith.constant 199 : i32
    %dma_wait3A_59 = arith.constant 0 : i32
    %dma_wait3A_60 = tpu.memref_slice %arg5[%dma_wait3A_58, %multiple_of3A, %dma_wait3A_59] : memref<200x4096x128xf32, #tpu.memory_space<hbm>> -> memref<1x128x128xf32, #tpu.memory_space<hbm>>
    %dma_wait3A_61 = tpu.memref_squeeze %dma_wait3A_60 : memref<1x128x128xf32, #tpu.memory_space<hbm>> -> memref<128x128xf32, #tpu.memory_space<hbm>>
    %dma_wait3A_62 = arith.constant 0 : i32
    %dma_wait3A_63 = tpu.memref_slice %arg5[%dma_wait3A_58, %multiple_of3A, %dma_wait3A_62] : memref<200x4096x128xf32, #tpu.memory_space<hbm>> -> memref<1x128x128xf32, #tpu.memory_space<hbm>>
    %dma_wait3A_64 = tpu.memref_squeeze %dma_wait3A_63 : memref<1x128x128xf32, #tpu.memory_space<hbm>> -> memref<128x128xf32, #tpu.memory_space<hbm>>
    tpu.wait_dma2 semaphore(%arg13 : memref<!tpu.dma_semaphore, #tpu.memory_space<semaphore_mem>>) src(%arg9 : memref<128x128xf32, #tpu.memory_space<vmem>>) dst(%dma_wait3A_64 : memref<128x128xf32, #tpu.memory_space<hbm>>)
    return
  }
}

module attributes {stable_mosaic.version = 14 : i64} {
  func.func @body(%arg0: i32, %arg1: i32, %arg2: memref<1x2048x128xf32, #tpu.memory_space<vmem>>, %arg3: memref<1x64x2048xf32, #tpu.memory_space<vmem>>, %arg4: memref<1x64x2048xf32, #tpu.memory_space<vmem>>) attributes {dimension_semantics = [#tpu.dimension_semantics<arbitrary>, #tpu.dimension_semantics<arbitrary>], iteration_bounds = array<i64: 104, 2>, scalar_prefetch = 0 : i64, scratch_operands = 0 : i64, tpu.core_type = #tpu.core_type<tc>, window_params = [{transform_indices = @transform_0, window_bounds = array<i64: 1, 2048, 128>}, {transform_indices = @transform_1, window_bounds = array<i64: 1, 64, 2048>}, {transform_indices = @transform_2, window_bounds = array<i64: 1, 64, 2048>}]} {
    %iota3A = tpu.iota {dimensions = array<i32: 0>} : vector<64x64xi32>
    %iota3A_0 = tpu.iota {dimensions = array<i32: 1>} : vector<64x64xi32>
    %eq3A = arith.cmpi eq, %iota3A, %iota3A_0 : vector<64x64xi32>
    %convert_element_type3A = arith.extui %eq3A : vector<64x64xi1> to vector<64x64xi32>
    %convert_element_type3A_1 = arith.sitofp %convert_element_type3A : vector<64x64xi32> to vector<64x64xf32>
    %get3A = arith.constant 0 : index
    %get3A_2 = arith.constant 0 : index
    %get3A_3 = arith.constant 0 : index
    %get3A_4 = vector.load %arg2[%get3A, %get3A_2, %get3A_3] : memref<1x2048x128xf32, #tpu.memory_space<vmem>>, vector<1x2048x128xf32>
    %get3A_5 = vector.shape_cast %get3A_4 : vector<1x2048x128xf32> to vector<2048x128xf32>
    %slice3A = vector.extract_strided_slice %get3A_5 {offsets = [0, 0], sizes = [2048, 64], strides = [1, 1]} : vector<2048x128xf32> to vector<2048x64xf32>
    %dot_general3A = arith.constant dense<0.000000e+00> : vector<64x2048xf32>
    %dot_general3A_6 = tpu.matmul %convert_element_type3A_1, %slice3A, %dot_general3A {dimension_numbers = #tpu.dot_dimension_numbers<[1], [1], [0], [0], [0, 0, 1, 0], [], []>, transpose_lhs_hint = false} : vector<64x64xf32>, vector<2048x64xf32>, vector<64x2048xf32> -> vector<64x2048xf32>
    %swap3A = arith.constant 0 : index
    %swap3A_7 = arith.constant 0 : index
    %swap3A_8 = arith.constant 0 : index
    %swap3A_9 = vector.load %arg4[%swap3A, %swap3A_7, %swap3A_8] : memref<1x64x2048xf32, #tpu.memory_space<vmem>>, vector<1x64x2048xf32>
    %swap3A_10 = vector.shape_cast %swap3A_9 : vector<1x64x2048xf32> to vector<64x2048xf32>
    %swap3A_11 = vector.shape_cast %dot_general3A_6 : vector<64x2048xf32> to vector<1x64x2048xf32>
    tpu.vector_store %arg4[%swap3A, %swap3A_7, %swap3A_8], %swap3A_11 {strides = array<i32>} : memref<1x64x2048xf32, #tpu.memory_space<vmem>>, vector<1x64x2048xf32>,
    return
  }
  func.func @transform_0(%arg0: i32, %arg1: i32) -> (i32, i32, i32) {
    %add3A = arith.constant 96 : i32
    %add3A_0 = arith.addi %add3A, %arg0 : i32
    %c0_i32 = arith.constant 0 : i32
    %c0_i32_1 = arith.constant 0 : i32
    return %add3A_0, %arg1, %c0_i32 : i32, i32, i32
  }
  func.func @transform_1(%arg0: i32, %arg1: i32) -> (i32, i32, i32) {
    %add3A = arith.constant 96 : i32
    %add3A_0 = arith.addi %add3A, %arg0 : i32
    %c0_i32 = arith.constant 0 : i32
    %c0_i32_1 = arith.constant 0 : i32
    return %add3A_0, %c0_i32, %arg1 : i32, i32, i32
  }
  func.func @transform_2(%arg0: i32, %arg1: i32) -> (i32, i32, i32) {
    %add3A = arith.constant 96 : i32
    %add3A_0 = arith.addi %add3A, %arg0 : i32
    %c0_i32 = arith.constant 0 : i32
    %c0_i32_1 = arith.constant 0 : i32
    return %add3A_0, %c0_i32, %arg1 : i32, i32, i32
  }
}

module attributes {stable_mosaic.version = 14 : i64} {
  func.func @body(%arg0: i32, %arg1: memref<64x8192xf32, #tpu.memory_space<vmem>>, %arg2: memref<8192x128xf32, #tpu.memory_space<vmem>>) attributes {dimension_semantics = [#tpu.dimension_semantics<arbitrary>], iteration_bounds = array<i64: 123>, scalar_prefetch = 0 : i64, scratch_operands = 0 : i64, tpu.core_type = #tpu.core_type<tc>, window_params = [{transform_indices = @transform_0, window_bounds = array<i64: 64, 8192>}, {transform_indices = @transform_1, window_bounds = array<i64: 8192, 128>}]} {
    %get3A = arith.constant 0 : index
    %get3A_0 = arith.constant 0 : index
    %get3A_1 = vector.load %arg1[%get3A, %get3A_0] : memref<64x8192xf32, #tpu.memory_space<vmem>>, vector<64x8192xf32>
    %transpose3A = tpu.transpose %get3A_1, [1, 0] : vector<64x8192xf32> -> vector<8192x64xf32>
    %swap3A = arith.constant 0 : index
    %swap3A_2 = arith.constant 0 : index
    %swap3A_3 = vector.load %arg2[%swap3A, %swap3A_2] : memref<8192x128xf32, #tpu.memory_space<vmem>>, vector<8192x64xf32>
    tpu.vector_store %arg2[%swap3A, %swap3A_2], %transpose3A {strides = array<i32>} : memref<8192x128xf32, #tpu.memory_space<vmem>>, vector<8192x64xf32>,
    return
  }
  func.func @transform_0(%arg0: i32) -> (i32, i32) {
    %c0_i32 = arith.constant 0 : i32
    %c0_i32_0 = arith.constant 0 : i32
    return %c0_i32, %arg0 : i32, i32
  }
  func.func @transform_1(%arg0: i32) -> (i32, i32) {
    %c0_i32 = arith.constant 0 : i32
    %c0_i32_0 = arith.constant 0 : i32
    return %arg0, %c0_i32 : i32, i32
  }
}

module attributes {stable_mosaic.version = 14 : i64} {
  func.func @body(%arg0: i32, %arg1: i32, %arg2: memref<1x2048x128xf32, #tpu.memory_space<vmem>>, %arg3: memref<1x64x2048xf32, #tpu.memory_space<vmem>>) attributes {dimension_semantics = [#tpu.dimension_semantics<arbitrary>, #tpu.dimension_semantics<arbitrary>], iteration_bounds = array<i64: 96, 2>, scalar_prefetch = 0 : i64, scratch_operands = 0 : i64, tpu.core_type = #tpu.core_type<tc>, window_params = [{transform_indices = @transform_0, window_bounds = array<i64: 1, 2048, 128>}, {transform_indices = @transform_1, window_bounds = array<i64: 1, 64, 2048>}]} {
    %iota3A = tpu.iota {dimensions = array<i32: 0>} : vector<64x64xi32>
    %iota3A_0 = tpu.iota {dimensions = array<i32: 1>} : vector<64x64xi32>
    %eq3A = arith.cmpi eq, %iota3A, %iota3A_0 : vector<64x64xi32>
    %convert_element_type3A = arith.extui %eq3A : vector<64x64xi1> to vector<64x64xi32>
    %convert_element_type3A_1 = arith.sitofp %convert_element_type3A : vector<64x64xi32> to vector<64x64xf32>
    %get3A = arith.constant 0 : index
    %get3A_2 = arith.constant 0 : index
    %get3A_3 = arith.constant 0 : index
    %get3A_4 = vector.load %arg2[%get3A, %get3A_2, %get3A_3] : memref<1x2048x128xf32, #tpu.memory_space<vmem>>, vector<1x2048x128xf32>
    %get3A_5 = vector.shape_cast %get3A_4 : vector<1x2048x128xf32> to vector<2048x128xf32>
    %slice3A = vector.extract_strided_slice %get3A_5 {offsets = [0, 0], sizes = [2048, 64], strides = [1, 1]} : vector<2048x128xf32> to vector<2048x64xf32>
    %dot_general3A = arith.constant dense<0.000000e+00> : vector<64x2048xf32>
    %dot_general3A_6 = tpu.matmul %convert_element_type3A_1, %slice3A, %dot_general3A {dimension_numbers = #tpu.dot_dimension_numbers<[1], [1], [0], [0], [0, 0, 1, 0], [], []>, transpose_lhs_hint = false} : vector<64x64xf32>, vector<2048x64xf32>, vector<64x2048xf32> -> vector<64x2048xf32>
    %swap3A = arith.constant 0 : index
    %swap3A_7 = arith.constant 0 : index
    %swap3A_8 = arith.constant 0 : index
    %swap3A_9 = vector.load %arg3[%swap3A, %swap3A_7, %swap3A_8] : memref<1x64x2048xf32, #tpu.memory_space<vmem>>, vector<1x64x2048xf32>
    %swap3A_10 = vector.shape_cast %swap3A_9 : vector<1x64x2048xf32> to vector<64x2048xf32>
    %swap3A_11 = vector.shape_cast %dot_general3A_6 : vector<64x2048xf32> to vector<1x64x2048xf32>
    tpu.vector_store %arg3[%swap3A, %swap3A_7, %swap3A_8], %swap3A_11 {strides = array<i32>} : memref<1x64x2048xf32, #tpu.memory_space<vmem>>, vector<1x64x2048xf32>,
    return
  }
  func.func @transform_0(%arg0: i32, %arg1: i32) -> (i32, i32, i32) {
    %add3A = arith.constant 0 : i32
    %add3A_0 = arith.addi %add3A, %arg0 : i32
    %c0_i32 = arith.constant 0 : i32
    %c0_i32_1 = arith.constant 0 : i32
    return %add3A_0, %arg1, %c0_i32 : i32, i32, i32
  }
  func.func @transform_1(%arg0: i32, %arg1: i32) -> (i32, i32, i32) {
    %add3A = arith.constant 0 : i32
    %add3A_0 = arith.addi %add3A, %arg0 : i32
    %c0_i32 = arith.constant 0 : i32
    %c0_i32_1 = arith.constant 0 : i32
    return %add3A_0, %c0_i32, %arg1 : i32, i32, i32
  }
}

</mosaic_0001>

<sc_bundles>
// kernel: kernel.10.cloned.1.call-start
scs
__scs_entry_jumppad:
0x0: {  	(pc) =	sbr.rel $0x88, $3  }
0x1: {  	(tag) =	ssettag $0x0;
	lr =	simm.s32 $0x1  }
0x2: {  	[smem:$0x3F9E] =	sst lr;
	_ =	strace $0xD0000000  }
0x3: {  	_ = 	snop  }
0x4: {  	_ = 	snop  }
0x5: {  	_ = 	snop  }
0x6: {  	_ = 	snop  }
0x7: {  	_ = 	snop  }
__scs_overlays_trampoline_lowered:
0x8: {  	[smem:$0x3FAD] =	sst s0  }
0x9: {  	[smem:$0x3FAE] =	sst s1  }
0xa: {  	[smem:$0x3FAF] =	sst s2  }
0xb: {  	[smem:$0x3FB0] =	sst s3  }
0xc: {  	[smem:$0x3FB1] =	sst s4  }
0xd: {  	[smem:$0x3FB2] =	sst s5  }
0xe: {  	[smem:$0x3FB3] =	sst s6  }
0xf: {  	[smem:$0x3FB4] =	sst s7  }
0x10: {  	[smem:$0x3FB5] =	sst s8  }
0x11: {  	[smem:$0x3FB6] =	sst s9;
	s0 =	simm.s32 @!p0 $0x0  }
0x12: {  	s1 =	sld [smem:$0x3F9C];
	s0 =	simm.s32 @p0 $0x1  }
0x13: {  	[smem:$0x3FB7] =	sst s0;
	s0 =	simm.s32 @!p1 $0x0  }
0x14: {  	s2 =	sld [smem:$0x3F9B];
	s0 =	simm.s32 @p1 $0x1  }
0x15: {  	[smem:$0x3FB8] =	sst s0;
	s0 =	simm.s32 @!p2 $0x0  }
0x16: {  	s3 =	sld [smem:$0x3FDB];
	s0 =	simm.s32 @p2 $0x1  }
0x17: {  	s4 =	simm.s32 $0x1BF5;
	[smem:$0x3FBA] =	sst s0  }
0x18: {  	s0 =	sld [smem:$0x3F9D];
	_ =	swait.ge [sflag:s4], $0x0  }
0x19: {  	s7 =	sld [smem:$0x3F9E]  }
0x1a: {  	s8 =	sadd.s32 $0xFFFFE003, lr  }
0x1b: {  	s9 =	sadd.s32 $0xFFFFFEF7, lr;
	s5 =	simm.s32 $0xFFFFFFFF;
	p2 =	slt.u32 s8, $0xFFFFF086  }
0x1c: {  	p1 =	slt.u32 s9, $0xF7A;
	s5 =	simm.s32 @!p2 $0x0  }
0x1d: {  	s5 =	simm.s32 @p1 $0x1;
	p0 =	seq.s32 s7, s2  }
0x1e: {  	s7 =	smul.u32 @!p0 $0xF7A, s2;
	p2 =	seq.s32 @!p0 s5, $0x0  }
0x1f: {  	s9 =	smul.u32 $0xF7A, s1;
	s8 =	simm.s32 @!p0 $0x1BF5;
	p2 =	por !p2, p0  }
0x20: {  	[sflag:s8] =	ssyncset.s32 @!p0 $0xFFFFF086;
	s6 =	sadd.s32 @!p0 s3, s7;
	s7 =	simm.s32 @!p0 $0x108  }
0x21: {  	s3 =	sadd.s32 s3, s9;
	s6 =	sadd.s32 @!p0 $0x88, s6;
	s7 =	simm.s32 @p2 $0x1082  }
0x22: {  	[simem:s7], [sflag:s8] =	dma.local @!p0 [hbm:s6], $0xF7A  }
0x23: {  	s9 =	sor.u32 $0xD0000000, s2;
	s6 =	simm.s32 $0x108;
	_ =	swait.ge @!p0 [sflag:s8], $0x0  }
0x24: {  	s3 =	sadd.s32 $0x88, s3;
	s6 =	simm.s32 @!p1 $0x1082;
	[sflag:s4] =	ssyncset.s32 $0xFFFFF086  }
0x25: {  	[simem:s6], [sflag:s4] =	dma.local [hbm:s3], $0xF7A  }
0x26: {  	[smem:$0x3F9E] =	sst s1;
	(tag) =	ssettag s2;
	_ =	strace s9  }
0x27: {  	s1 =	sld [smem:$0x3FAE]  }
0x28: {  	s2 =	sld [smem:$0x3FAF]  }
0x29: {  	s4 =	sld [smem:$0x3FB1]  }
0x2a: {  	p0 =	seq.s32 s5, $0x0;
	s5 =	sld [smem:$0x3FB2]  }
0x2b: {  	s6 =	sld [smem:$0x3FB3]  }
0x2c: {  	s7 =	sld [smem:$0x3FB4]  }
0x2d: {  	s3 =	simm.s32 $0x108;
	s8 =	sld [smem:$0x3FB5]  }
0x2e: {  	s3 =	simm.s32 @!p0 $0x1082;
	s9 =	sld [smem:$0x3FB6]  }
0x2f: {  	lr =	sadd.s32 s0, s3;
	s0 =	sld [smem:$0x3FAD]  }
0x30: {  	s3 =	sld [smem:$0x3FB0]  }
0x31: {  	[smem:$0x3FB9] =	sst s10  }
0x32: {  	s10 =	sld [smem:$0x3FB7];
	_ =	sdelay $0x3  }
0x33: {  	p0 =	seq.s32 s10, $0x1;
	s10 =	sld [smem:$0x3FB9];
	_ =	sdelay $0x3  }
0x34: {  	[smem:$0x3FB9] =	sst s10  }
0x35: {  	s10 =	sld [smem:$0x3FB8];
	_ =	sdelay $0x3  }
0x36: {  	p1 =	seq.s32 s10, $0x1;
	s10 =	sld [smem:$0x3FB9];
	_ =	sdelay $0x3  }
0x37: {  	[smem:$0x3FB9] =	sst s10  }
0x38: {  	s10 =	sld [smem:$0x3FBA]  }
0x39: {  	_ = 	snop;
	(pc) =	sbr.ind lr, $3  }
0x3a: {  	_ = 	snop  }
0x3b: {  	_ = 	snop  }
0x3c: {  	p2 =	seq.s32 s10, $0x1;
	s10 =	sld [smem:$0x3FB9]  }
0x3d: {  	_ =	shalt  }
0x3e: {  	_ =	shalt  }
0x3f: {  	_ =	shalt  }
0x40: {  	_ =	shalt  }
0x41: {  	_ =	shalt  }
0x42: {  	_ =	shalt  }
0x43: {  	_ =	shalt  }
0x44: {  	_ =	shalt  }
0x45: {  	_ =	shalt  }
0x46: {  	_ =	shalt  }
0x47: {  	_ =	shalt  }
0x48: {  	_ =	shalt  }
0x49: {  	_ =	shalt  }
0x4a: {  	_ =	shalt  }
0x4b: {  	_ =	shalt  }
0x4c: {  	_ =	shalt  }
0x4d: {  	_ =	shalt  }
0x4e: {  	_ =	shalt  }
0x4f: {  	_ =	shalt  }
0x50: {  	_ =	shalt  }
0x51: {  	_ =	shalt  }
0x52: {  	_ =	shalt  }
0x53: {  	_ =	shalt  }
0x54: {  	_ =	shalt  }
0x55: {  	_ =	shalt  }
0x56: {  	_ =	shalt  }
0x57: {  	_ =	shalt  }
0x58: {  	_ =	shalt  }
0x59: {  	_ =	shalt  }
0x5a: {  	_ =	shalt  }
0x5b: {  	_ =	shalt  }
0x5c: {  	_ =	shalt  }
0x5d: {  	_ =	shalt  }
0x5e: {  	_ =	shalt  }
0x5f: {  	_ =	shalt  }
0x60: {  	_ =	shalt  }
0x61: {  	_ =	shalt  }
0x62: {  	_ =	shalt  }
0x63: {  	_ =	shalt  }
0x64: {  	_ =	shalt  }
0x65: {  	_ =	shalt  }
0x66: {  	_ =	shalt  }
0x67: {  	_ =	shalt  }
0x68: {  	_ =	shalt  }
0x69: {  	_ =	shalt  }
0x6a: {  	_ =	shalt  }
0x6b: {  	_ =	shalt  }
0x6c: {  	_ =	shalt  }
0x6d: {  	_ =	shalt  }
0x6e: {  	_ =	shalt  }
0x6f: {  	_ =	shalt  }
0x70: {  	_ =	shalt  }
0x71: {  	_ =	shalt  }
0x72: {  	_ =	shalt  }
0x73: {  	_ =	shalt  }
0x74: {  	_ =	shalt  }
0x75: {  	_ =	shalt  }
0x76: {  	_ =	shalt  }
0x77: {  	_ =	shalt  }
0x78: {  	_ =	shalt  }
0x79: {  	_ =	shalt  }
0x7a: {  	_ =	shalt  }
0x7b: {  	_ =	shalt  }
0x7c: {  	_ =	shalt  }
0x7d: {  	_ =	shalt  }
0x7e: {  	_ =	shalt  }
0x7f: {  	_ =	shalt  }
0x80: {  	_ =	shalt  }
0x81: {  	_ =	shalt  }
0x82: {  	_ =	shalt  }
0x83: {  	_ =	shalt  }
0x84: {  	_ =	shalt  }
0x85: {  	_ =	shalt  }
0x86: {  	_ =	shalt  }
0x87: {  	_ =	shalt  }
.Lfunc_end0:
.L_simem_size_0:
called_computation.1_lowered:
.L_overlay_start_0:
0x88: {  	s2 =	sld [smem:$0x3FD9]  }
0x89: {  	s3 =	sld [smem:$0x3FFE];
	_ =	sdelay $0x1  }
0x8a: {  	s1 =	srdreg.scid  }
0x8b: {  	s0 =	sand.u32 $0x1, s1  }
0x8c: {  	s17 =	sshll.u32 s0, $0xA;
	s2 =	sadd.s32 s3, s2  }
0x8d: {  	s2 =	sadd.s32 s2, s17  }
0x8e: {  	[smem:$0x3FC5] =	sst s2  }
0x8f: {  	_ = 	snop  }
0x90: {  	s4 =	sld [smem:$0x3FC9]  }
0x91: {  	s18 =	sld [smem:$0x3FC7];
	(tm) =	ssettm $0x1  }
0x92: {  	s19 =	sld [smem:$0x3FFB];
	_ =	sdelay $0x3  }
0x93: {  	_ =	strace s19  }
0x94: {  	s2 =	sld [smem:$0x3FFC];
	_ =	sdelay $0x3  }
0x95: {  	_ =	strace s2  }
0x96: {  	s2 =	sld [smem:$0x3FFD];
	_ =	sdelay $0x3  }
0x97: {  	_ =	strace s2  }
0x98: {  	_ =	strace $0x8FFFFFFF  }
0x99: {  	s20 =	sld [smem:$0x3FDB];
	_ =	sdelay $0x1  }
0x9a: {  	s5 =	simm.s32 $_scs_section_size  }
0x9b: {  	s6 =	simm.s32 $_size__tile_overlayer_lowered;
	s7 =	simm.s32 $_tile_overlayer_lowered  }
0x9c: {  	s8 =	simm.s32 $0x1BFF;
	s21 =	sshll.u32 s7, $0x1;
	s5 =	sadd.s32 s5, s20  }
0x9d: {  	s22 =	simm.s32 $0x0;
	s6 =	sshll.u32 s6, $0x1;
	s7 =	sadd.s32 s21, s5  }
0x9e: {  	[timem:s22], [sflag:s8] =	dma.local [hbm:s7], s6  }
0x9f: {  	_ =	swait.ge [sflag:s8], s6  }
0xa0: {  	s6 =	ssub.s32 $0x0, s6;
	[sflag:s8] =	ssyncset.done $0x0  }
0xa1: {  	[sflag:s8] =	ssyncadd.s32 s6;
	_ =	sdelay $0x1  }
0xa2: {  	s23 =	simm.s32 $0x1B8B  }
0xa3: {  	_ =	swait.ge [sflag:s23], $0x1  }
0xa4: {  	[sflag:s23] =	ssyncset.done $0x0  }
0xa5: {  	[sflag:s23] =	ssyncadd.s32 $0xFFFFFFFF  }
0xa6: {  	s6 =	sld [smem:$0x0]  }
0xa7: {  	s7 =	sand.u32 $0xFFFFFFFE, s1  }
0xa8: {  	p0 =	sne.s32 s1, s7  }
0xa9: {  	s7 =	sshll.u32 @p0 s7, $0xE  }
0xaa: {  	s7 =	sadd.s32 @p0 $0x11B8D, s7;
	s8 =	sshll.u32 @p0 s6, $0x11  }
0xab: {  	s7 =	sor.u32 @p0 s8, s7  }
0xac: {  	[sflag:s7] =	ssyncadd.remote.s32 @p0 $0x1;
	_ =	sdelay $0x1  }
0xad: {  	s7 =	simm.s32 @p0 $0x1B8D  }
0xae: {  	_ =	swait.eq @p0 [sflag:s7], $0x1  }
0xaf: {  	[sflag:s7] =	ssyncadd.s32 @p0 $0xFFFFFFFF  }
0xb0: {  	s8 =	sshll.u32 @!p0 s1, $0xE  }
0xb1: {  	s8 =	sor.u32 @!p0 $0x4000, s8;
	s7 =	simm.s32 @!p0 $0x1B8D  }
0xb2: {  	s6 =	sshll.u32 @!p0 s6, $0x11;
	s8 =	sadd.s32 @!p0 $0x11B8D, s8;
	_ =	swait.eq @!p0 [sflag:s7], $0x1  }
0xb3: {  	s6 =	sor.u32 @!p0 s6, s8;
	[sflag:s7] =	ssyncadd.s32 @!p0 $0xFFFFFFFF  }
0xb4: {  	s25 =	simm.s32 $0x1B8E;
	s24 =	sld [smem:$0x3FFE];
	[sflag:s6] =	ssyncadd.remote.s32 @!p0 $0x1  }
0xb5: {  	s26 =	simm.s32 $execute0_lowered;
	[smem:$0x3FD2] =	sst s25  }
0xb6: {  	s7 =	sshll.u32 s26, $0x1;
	_ =	strace $0x80000049;
	[dreg:$0x1] =	wrdreg $0xFFFFFFFF  }
0xb7: {  	s28 =	simm.s32 $_size_execute0_lowered;
	s5 =	sadd.s32 s5, s7;
	[dreg:$0x0] =	wrdreg $0x0  }
0xb8: {  	s7 =	sshll.u32 s28, $0x1;
	[dreg:$0x2] =	wrdreg s5  }
0xb9: {  	[dreg:$0x3] =	wrdreg s7  }
0xba: {  	[dreg:$0x4] =	wrdreg $0xC0  }
0xbb: {  	_ =	task [dreg:s22], $0x5FFFF  }
0xbc: {  	[dreg:$0x1] =	wrdreg $0xFFFFFFFF  }
0xbd: {  	[dreg:$0x0] =	wrdreg $0x60  }
0xbe: {  	[dreg:$0x2] =	wrdreg s4  }
0xbf: {  	[dreg:$0x3] =	wrdreg s24  }
0xc0: {  	[dreg:$0x4] =	wrdreg s18  }
0xc1: {  	[dreg:$0x5] =	wrdreg $0xA  }
0xc2: {  	_ =	task.clear_ibuf [dreg:s22], $0x6FFFF;
	_ =	strace $0x90000049  }
0xc3: {  	s29 =	simm.s32 $0xA;
	_ =	strace $0x8000004B  }
0xc4: {  	_ =	swait.ge [sflag:s29], $0x1  }
0xc5: {  	[sflag:s29] =	ssyncadd.s32 $0xFFFFFFFF  }
0xc6: {  	_ =	strace $0x9000004B  }
0xc7: {  	_ =	sfence  }
0xc8: {  	s30 =	sld [smem:$0x0];
	_ =	sdelay $0x2  }
0xc9: {  	s31 =	sshll.u32 s1, $0xD;
	s1 =	sshrl.u32 s1, $0x2  }
0xca: {  	s4 =	sand.u32 $0x4000, s31;
	s1 =	sadd.s32 s1, s30  }
0xcb: {  	s0 =	sor.u32 s4, s0;
	s1 =	sshll.u32 s1, $0x11  }
0xcc: {  	s0 =	sor.u32 s1, s0  }
0xcd: {  	s0 =	sadd.s32 $0x8F2B, s0  }
0xce: {  	[sflag:s0] =	ssyncadd.remote.s32 $0x1  }
0xcf: {  	_ =	sfence.sel $0xFFFF  }
0xd0: {  	[dreg:$0x0] =	wrdreg $0xFFFFFFFF;
	(pc) =	sbr.abs _section_cstart, $3  }
0xd1: {  	[dreg:$0x1] =	wrdreg $0xFFFFFFFF  }
0xd2: {  	_ =	task.clear_ibuf [dreg:s22], $0x2FFFF;
	_ =	strace $0x9FFFFFFF  }
0xd3: {  	(tm) =	ssettm $0x7FFFFFFF  }
tec
execute0_lowered:
.L_overlay_start_1:
0x0: {  	(tag) =	ssettag $0x1  }
0x1: {  	v0 =	vimm.s32 $0xB80  }
0x2: {  	vm14 =	vcmask $0x300;
	vm13 =	vcmask $0x704;
	vm12 =	vcmask $0xB08  }
0x3: {  	vm11 =	vcmask $0xF0C;
	vm10 =	vcmask $0x1310;
	vm9 =	vcmask $0x1714  }
0x4: {  	vm8 =	vcmask $0x1B18;
	vm7 =	vcmask $0x1F1C;
	vm6 =	vcmask $0x2320  }
0x5: {  	vm5 =	vcmask $0x2724;
	vm4 =	vcmask $0x2B28;
	vm3 =	vcmask $0x2F2C  }
0x6: {  	vm2 =	vcmask $0x3330;
	vm1 =	vcmask $0x3734;
	vm0 =	vcmask $0x3B38  }
0x7: {  	v1 =	vimm.s32 $0x1B80;
	v2 =	vimm.s32 $0x2B80;
	v3 =	vimm.s32 $0x3B80  }
0x8: {  	v0 =	vsel vm14, $0x0, v0;
	v1 =	vsel vm14, $0x1000, v1;
	v2 =	vsel vm14, $0x2000, v2  }
0x9: {  	v3 =	vsel vm14, $0x3000, v3;
	v0 =	vsel vm13, $0x80, v0;
	v1 =	vsel vm13, $0x1080, v1  }
0xa: {  	v2 =	vsel vm13, $0x2080, v2;
	v3 =	vsel vm13, $0x3080, v3;
	v0 =	vsel vm12, $0x100, v0  }
0xb: {  	v1 =	vsel vm12, $0x1100, v1;
	v2 =	vsel vm12, $0x2100, v2;
	v3 =	vsel vm12, $0x3100, v3  }
0xc: {  	v0 =	vsel vm11, $0x180, v0;
	v1 =	vsel vm11, $0x1180, v1;
	v2 =	vsel vm11, $0x2180, v2  }
0xd: {  	s6 =	rddreg [dreg:$0x0];
	v3 =	vsel vm11, $0x3180, v3;
	v0 =	vsel vm10, $0x200, v0;
	v1 =	vsel vm10, $0x1200, v1  }
0xe: {  	s5 =	rddreg [dreg:$0x1];
	v2 =	vsel vm10, $0x2200, v2;
	v3 =	vsel vm10, $0x3200, v3;
	v0 =	vsel vm9, $0x280, v0  }
0xf: {  	s1 =	rddreg [dreg:$0x2];
	v1 =	vsel vm9, $0x1280, v1;
	v2 =	vsel vm9, $0x2280, v2;
	v3 =	vsel vm9, $0x3280, v3  }
0x10: {  	s0 =	rddreg [dreg:$0x3];
	v0 =	vsel vm8, $0x300, v0;
	v1 =	vsel vm8, $0x1300, v1;
	v2 =	vsel vm8, $0x2300, v2  }
0x11: {  	s2 =	simm.s32 $0x0;
	s4 =	srdreg.scid;
	s3 =	stileid.u32;
	v3 =	vsel vm8, $0x3300, v3;
	v0 =	vsel vm7, $0x380, v0;
	v1 =	vsel vm7, $0x1380, v1  }
0x12: {  	s10 =	simm.s32 $0x1000;
	s11 =	simm.s32 $0x3400;
	s12 =	simm.s32 $0x400;
	v2 =	vsel vm7, $0x2380, v2;
	v3 =	vsel vm7, $0x3380, v3;
	v0 =	vsel vm6, $0x800, v0  }
0x13: {  	s13 =	simm.s32 $0x8000;
	s14 =	simm.s32 $0x5;
	s15 =	simm.s32 $0x80;
	v1 =	vsel vm6, $0x1800, v1;
	v2 =	vsel vm6, $0x2800, v2;
	v3 =	vsel vm6, $0x3800, v3  }
0x14: {  	s16 =	simm.s32 $0x7400;
	s17 =	simm.s32 $0xB400;
	s18 =	simm.s32 $0x1;
	v0 =	vsel vm5, $0x880, v0;
	v1 =	vsel vm5, $0x1880, v1;
	v2 =	vsel vm5, $0x2880, v2  }
0x15: {  	s19 =	simm.s32 $0x2;
	s20 =	simm.s32 $0x4;
	s21 =	simm.s32 $0x3;
	v3 =	vsel vm5, $0x3880, v3;
	v0 =	vsel vm4, $0x900, v0;
	v1 =	vsel vm4, $0x1900, v1  }
0x16: {  	s22 =	simm.s32 $0x0;
	[smem:$0x7FF] =	sst s2;
	s7 =	sand.u32 $0x1, s4;
	v2 =	vsel vm4, $0x2900, v2;
	v3 =	vsel vm4, $0x3900, v3;
	v0 =	vsel vm3, $0x980, v0  }
.Ltmp0:
0x17: {  	s8 =	sshll.u32 s3, $0x8;
	s4 =	sadd.s32 $0x800, s5;
	v1 =	vsel vm3, $0x1980, v1;
	v2 =	vsel vm3, $0x2980, v2;
	v3 =	vsel vm3, $0x3980, v3;
	(pc) =	sbr.rel .LBB2_1-.Ltmp0, $4  }
0x18: {  	s5 =	sadd.s32 $0x1BC2C00, s5;
	s9 =	sshll.u32 s7, $0x7;
	s7 =	ssub.s32 $0x2, s7;
	v0 =	vsel vm2, $0xA00, v0;
	v1 =	vsel vm2, $0x1A00, v1;
	v2 =	vsel vm2, $0x2A00, v2  }
0x19: {  	_ =	strace $0x8000004A;
	s8 =	sor.u32 s9, s8;
	s31 =	sshrl.u32 s7, $0x1;
	v3 =	vsel vm2, $0x3A00, v3;
	v0 =	vsel vm1, $0xA80, v0;
	v1 =	vsel vm1, $0x1A80, v1  }
0x1a: {  	s6 =	sadd.s32 s8, s6;
	s9 =	ssub.s32 s7, s31;
	s7 =	sshll.u32 s8, $0x7;
	v2 =	vsel vm1, $0x2A80, v2;
	v3 =	vsel vm1, $0x3A80, v3;
	v0 =	vsel vm0, $0xB00, v0  }
0x1b: {  	s6 =	sadd.s32 $0xC000, s6;
	s8 =	smax.u32 s9, $0x1;
	s9 =	simm.s32 $0x800;
	v1 =	vsel vm0, $0x1B00, v1;
	v2 =	vsel vm0, $0x2B00, v2;
	v3 =	vsel vm0, $0x3B00, v3  }
.LBB2_12:
0x1c: {  	s22 =	sadd.s32 $0x1, s22  }
0x1d: {  	_ =	swait.ge [sflag:s21], $0x4000;
	p0 =	sne.s32 s22, s8  }
.Ltmp1:
0x1e: {  	[sflag:s21] =	ssyncset.done $0x0;
	(pc) =	sbr.rel @!p0 .LBB2_13-.Ltmp1, $4  }
0x1f: {  	[sflag:s21] =	ssyncadd.s32 $0xFFFFC000  }
0x20: {  	_ =	swait.ge [sflag:s20], $0x4000  }
0x21: {  	[sflag:s20] =	ssyncset.done $0x0  }
0x22: {  	[sflag:s20] =	ssyncadd.s32 $0xFFFFC000  }
.LBB2_1:
0x23: {  	[tilespmem:s11], [sflag:$0x5] =	stream.strided.gather [hbm4b:s1+s9], $0x4000, s10, s9, $0x38;
	[tilespmem:$0xF400] =	vst v63  }
0x24: {  	_ = 	snop  }
0x25: {  	[tilespmem:s2], [sflag:$0x5] =	stream.strided.gather [hbm4b:s6+s12], $0x3400, s13, s12, $0x38;
	[tilespmem:$0xF400] =	vst v63  }
0x26: {  	_ =	swait.ge [sflag:s14], $0x4000  }
0x27: {  	[sflag:s14] =	ssyncset.done $0x0  }
0x28: {  	[sflag:s14] =	ssyncadd.s32 $0xFFFFC000  }
0x29: {  	_ =	swait.ge [sflag:s14], $0x3400  }
0x2a: {  	[sflag:s14] =	ssyncset.done $0x0  }
0x2b: {  	[sflag:s14] =	ssyncadd.s32 $0xFFFFCC00  }
0x2c: {  	[tilespmem:s16], [sflag:$0x1] =	stream.indirect.gather [hbm4b:s4+s15], $0x80, s2, s15, $0xb8;
	[tilespmem:$0xF400] =	vst v63  }
0x2d: {  	s23 =	simm.s32 $0x0  }
0x2e: {  	[tilespmem:s17], [sflag:$0x2] =	stream.indirect.gather [hbm4b:s4+s15], $0x80, s15, s15, $0xb8;
	[tilespmem:$0xF400] =	vst v63  }
.LBB2_2:
0x2f: {  	s24 =	sshll.u32 s23, $0x1  }
0x30: {  	s25 =	sadd.s32 $0x60, s24  }
0x31: {  	v4 =	vmov s25  }
0x32: {  	v5 =	vshll.u32 v4, $0x3  }
0x33: {  	v4 =	vand.u32 $0x7E, v4;
	v5 =	vand.u32 $0x400, v5  }
0x34: {  	_ =	swait.ge [sflag:s18], $0x4000;
	v4 =	vor.u32 v4, v5  }
0x35: {  	p0 =	seq.s32 s23, $0x0;
	[sflag:s18] =	ssyncset.done $0x0;
	v6 =	vor.u32 v1, v4  }
0x36: {  	s26 =	simm.s32 @!p0 $0x3;
	[sflag:s18] =	ssyncadd.s32 $0xFFFFC000;
	v7 =	vor.u32 v2, v4  }
0x37: {  	_ =	swait.ge @!p0 [sflag:s26], $0x4000;
	v8 =	vor.u32 v3, v4  }
0x38: {  	[sflag:s26] =	ssyncset.done @!p0 $0x0  }
0x39: {  	[sflag:s26] =	ssyncadd.s32 @!p0 $0xFFFFC000;
	v5 =	vor.u32 v0, v4  }
0x3a: {  	v4 =	vld.idx.msk [tilespmem:v6+s11+$0x0], $0xffff  }
0x3b: {  	v6 =	vld.idx.msk [tilespmem:v7+s11+$0x0], $0xffff  }
0x3c: {  	v7 =	vld.idx.msk [tilespmem:v8+s11+$0x0], $0xffff;
	_ =	sdelay $0x1  }
0x3d: {  	v5 =	vld.idx.msk [tilespmem:v5+s11+$0x0], $0xffff;
	_ =	sdelay $0x1  }
0x3e: {  	s28 =	simm.s32 $0x200;
	s26 =	simm.s32 $0x0  }
.LBB2_3:
0x3f: {  	p1 =	sne.s32 s28, $0xFE00;
	[tilespmem:s26+$0x7430] =	vst.add.f32.msk $0xffff, v7;
	s29 =	smov.u32 s28;
	s28 =	sadd.s32 $0x200, s28  }
.Ltmp2:
0x40: {  	[tilespmem:s26+$0x7420] =	vst.add.f32.msk $0xffff, v6;
	(pc) =	sbr.rel @p1 .LBB2_3-.Ltmp2, $3  }
0x41: {  	[tilespmem:s26+$0x7400] =	vst.add.f32.msk $0xffff, v5  }
0x42: {  	[tilespmem:s26+$0x7410] =	vst.add.f32.msk $0xffff, v4;
	_ =	sdelay $0x1  }
0x43: {  	s26 =	sshra.s32 s29, $0x2  }
0x44: {  	p1 =	sne.s32 s23, $0x33  }
.Ltmp3:
0x45: {  	[tilespmem:s26+$0x7430] =	vst.add.f32.msk $0xffff, v7;
	s25 =	sshll.u32 s25, $0x13;
	(pc) =	sbr.rel @p1 .LBB2_6-.Ltmp3, $4  }
0x46: {  	[tilespmem:s26+$0x7420] =	vst.add.f32.msk $0xffff, v6;
	s25 =	sor.u32 s7, s25  }
0x47: {  	[tilespmem:s26+$0x7400] =	vst.add.f32.msk $0xffff, v5;
	s25 =	sshrl.u32 s25, $0x3  }
0x48: {  	[tilespmem:s26+$0x7410] =	vst.add.f32.msk $0xffff, v4;
	s25 =	sadd.s32 s5, s25  }
0x49: {  	[hbm4b:s25+s2] =	stream.linear.scatter [tilespmem:s16], [sflag:$0x3], $0x4000, $0x38;
	[tilespmem:$0xF400] =	vst v63  }
.Ltmp4:
0x4a: {  	(pc) =	sbr.rel .LBB2_7-.Ltmp4, $4  }
0x4b: {  	_ = 	snop  }
0x4c: {  	_ =	swait.ge [sflag:s19], $0x4000  }
0x4d: {  	[sflag:s19] =	ssyncset.done $0x0  }
0x4e: {  	[sflag:s19] =	ssyncadd.s32 $0xFFFFC000  }
.LBB2_6:
0x4f: {  	s25 =	sshll.u32 s23, $0x8  }
0x50: {  	s25 =	sand.u32 $0x3FFFFF00, s25  }
.Ltmp5:
0x51: {  	s25 =	sadd.s32 $0x100, s25;
	(pc) =	sbr.rel @p0 .LBB2_8-.Ltmp5, $4  }
0x52: {  	[tilespmem:s16], [sflag:$0x1] =	stream.indirect.gather [hbm4b:s4+s15], $0x80, s25, s15, $0xb8;
	[tilespmem:$0xF400] =	vst v63  }
0x53: {  	_ =	swait.ge [sflag:s19], $0x4000  }
0x54: {  	[sflag:s19] =	ssyncset.done $0x0  }
0x55: {  	[sflag:s19] =	ssyncadd.s32 $0xFFFFC000  }
.LBB2_7:
0x56: {  	_ =	swait.ge [sflag:s20], $0x4000  }
0x57: {  	[sflag:s20] =	ssyncset.done $0x0  }
0x58: {  	[sflag:s20] =	ssyncadd.s32 $0xFFFFC000  }
.LBB2_8:
0x59: {  	s24 =	sadd.s32 $0x61, s24  }
0x5a: {  	v4 =	vmov s24  }
0x5b: {  	v5 =	vshll.u32 v4, $0x3  }
0x5c: {  	v4 =	vand.u32 $0x7F, v4;
	v5 =	vand.u32 $0x400, v5  }
0x5d: {  	v4 =	vor.u32 v4, v5  }
0x5e: {  	v6 =	vor.u32 v1, v4  }
0x5f: {  	v7 =	vor.u32 v2, v4  }
0x60: {  	v8 =	vor.u32 v3, v4;
	_ =	sdelay $0x1  }
0x61: {  	v5 =	vor.u32 v0, v4  }
0x62: {  	v4 =	vld.idx.msk [tilespmem:v6+s11+$0x0], $0xffff  }
0x63: {  	v6 =	vld.idx.msk [tilespmem:v7+s11+$0x0], $0xffff  }
0x64: {  	v7 =	vld.idx.msk [tilespmem:v8+s11+$0x0], $0xffff;
	_ =	sdelay $0x1  }
0x65: {  	v5 =	vld.idx.msk [tilespmem:v5+s11+$0x0], $0xffff;
	_ =	sdelay $0x1  }
0x66: {  	s26 =	simm.s32 $0x200;
	s25 =	simm.s32 $0x0  }
.LBB2_9:
0x67: {  	p0 =	sne.s32 s26, $0xFE00;
	[tilespmem:s25+$0xB430] =	vst.add.f32.msk $0xffff, v7;
	s28 =	smov.u32 s26;
	s26 =	sadd.s32 $0x200, s26  }
.Ltmp6:
0x68: {  	[tilespmem:s25+$0xB420] =	vst.add.f32.msk $0xffff, v6;
	(pc) =	sbr.rel @p0 .LBB2_9-.Ltmp6, $3  }
0x69: {  	[tilespmem:s25+$0xB400] =	vst.add.f32.msk $0xffff, v5  }
0x6a: {  	[tilespmem:s25+$0xB410] =	vst.add.f32.msk $0xffff, v4;
	_ =	sdelay $0x1  }
0x6b: {  	s25 =	sshra.s32 s28, $0x2  }
0x6c: {  	p0 =	seq.s32 s23, $0x33  }
.Ltmp7:
0x6d: {  	[tilespmem:s25+$0xB430] =	vst.add.f32.msk $0xffff, v7;
	s24 =	sshll.u32 s24, $0x13;
	(pc) =	sbr.rel @p0 .LBB2_12-.Ltmp7, $4  }
0x6e: {  	[tilespmem:s25+$0xB420] =	vst.add.f32.msk $0xffff, v6;
	s24 =	sor.u32 s7, s24  }
0x6f: {  	[tilespmem:s25+$0xB400] =	vst.add.f32.msk $0xffff, v5;
	s24 =	sshrl.u32 s24, $0x3  }
0x70: {  	[tilespmem:s25+$0xB410] =	vst.add.f32.msk $0xffff, v4;
	s24 =	sadd.s32 s5, s24  }
0x71: {  	[hbm4b:s24+s2] =	stream.linear.scatter [tilespmem:s17], [sflag:$0x4], $0x4000, $0x38;
	[tilespmem:$0xF400] =	vst v63  }
.Ltmp8:
0x72: {  	(pc) =	sbr.rel .LBB2_2-.Ltmp8, $4  }
0x73: {  	s24 =	sshll.u32 s23, $0x8  }
0x74: {  	s24 =	sand.u32 $0x3FFFFF00, s24  }
0x75: {  	s23 =	sadd.s32 $0x1, s23;
	s24 =	sadd.s32 $0x180, s24  }
0x76: {  	[tilespmem:s17], [sflag:$0x2] =	stream.indirect.gather [hbm4b:s4+s15], $0x80, s24, s15, $0xb8;
	[tilespmem:$0xF400] =	vst v63  }
.LBB2_13:
0x77: {  	_ =	sfence.sel $0x180000  }
0x78: {  	[bflag:$0x0] =	sbarrier.arrive $0xFFFF  }
0x79: {  	p0 =	sne.s32 s3, $0x0;
	_ =	strace $0x9000004A  }
0x7a: {  	s0 =	sadd.s32 @!p0 $0x100000, s0;
	[bflag:$0x2] =	sbarrier.arrive $0xFFFF  }
0x7b: {  	[sflag:s0] =	ssyncadd.tile.s32 @!p0 $0x1;
	_ =	shalt  }
.Lfunc_end2:
_tile_overlayer_lowered:
.L_overlay_start_2:
0x7c: {  	(tag) =	ssettag $0x2  }
0x7d: {  	s0 =	rddreg [dreg:$0x0];
	s2 =	stileid.u32  }
0x7e: {  	s1 =	rddreg [dreg:$0x1];
	p0 =	sne.s32 s2, $0x0  }
0x7f: {  	s3 =	rddreg [dreg:$0x2];
	[bflag:$0x3] =	sbarrier.arrive $0xFFFF;
	s2 =	simm.s32 @!p0 $0x1C06  }
0x80: {  	[timem:s3], [sflag:s2] =	dma.local @!p0 [hbm:s0], s1  }
0x81: {  	s0 =	simm.s32 @!p0 $0x6  }
0x82: {  	_ =	swait.ge @!p0 [sflag:s0], s1  }
0x83: {  	s1 =	ssub.s32 @!p0 $0x0, s1;
	[sflag:s0] =	ssyncset.done @!p0 $0x0  }
0x84: {  	[sflag:s0] =	ssyncadd.s32 @!p0 s1  }
0x85: {  	[bflag:$0x3] =	sbarrier.arrive $0xFFFF  }
0x86: {  	_ =	shalt  }

// kernel: kernel.7.cloned.1.call-start
scs
__scs_entry_jumppad:
0x0: {  	(pc) =	sbr.rel $0x88, $3  }
0x1: {  	(tag) =	ssettag $0x0;
	lr =	simm.s32 $0x1  }
0x2: {  	[smem:$0x3F9E] =	sst lr;
	_ =	strace $0xD0000000  }
0x3: {  	_ = 	snop  }
0x4: {  	_ = 	snop  }
0x5: {  	_ = 	snop  }
0x6: {  	_ = 	snop  }
0x7: {  	_ = 	snop  }
__scs_overlays_trampoline_lowered:
0x8: {  	[smem:$0x3FAD] =	sst s0  }
0x9: {  	[smem:$0x3FAE] =	sst s1  }
0xa: {  	[smem:$0x3FAF] =	sst s2  }
0xb: {  	[smem:$0x3FB0] =	sst s3  }
0xc: {  	[smem:$0x3FB1] =	sst s4  }
0xd: {  	[smem:$0x3FB2] =	sst s5  }
0xe: {  	[smem:$0x3FB3] =	sst s6  }
0xf: {  	[smem:$0x3FB4] =	sst s7  }
0x10: {  	[smem:$0x3FB5] =	sst s8  }
0x11: {  	[smem:$0x3FB6] =	sst s9;
	s0 =	simm.s32 @!p0 $0x0  }
0x12: {  	s1 =	sld [smem:$0x3F9C];
	s0 =	simm.s32 @p0 $0x1  }
0x13: {  	[smem:$0x3FB7] =	sst s0;
	s0 =	simm.s32 @!p1 $0x0  }
0x14: {  	s2 =	sld [smem:$0x3F9B];
	s0 =	simm.s32 @p1 $0x1  }
0x15: {  	[smem:$0x3FB8] =	sst s0;
	s0 =	simm.s32 @!p2 $0x0  }
0x16: {  	s3 =	sld [smem:$0x3FDB];
	s0 =	simm.s32 @p2 $0x1  }
0x17: {  	s4 =	simm.s32 $0x1BF5;
	[smem:$0x3FBA] =	sst s0  }
0x18: {  	s0 =	sld [smem:$0x3F9D];
	_ =	swait.ge [sflag:s4], $0x0  }
0x19: {  	s7 =	sld [smem:$0x3F9E]  }
0x1a: {  	s8 =	sadd.s32 $0xFFFFE003, lr  }
0x1b: {  	s9 =	sadd.s32 $0xFFFFFEF7, lr;
	s5 =	simm.s32 $0xFFFFFFFF;
	p2 =	slt.u32 s8, $0xFFFFF086  }
0x1c: {  	p1 =	slt.u32 s9, $0xF7A;
	s5 =	simm.s32 @!p2 $0x0  }
0x1d: {  	s5 =	simm.s32 @p1 $0x1;
	p0 =	seq.s32 s7, s2  }
0x1e: {  	s7 =	smul.u32 @!p0 $0xF7A, s2;
	p2 =	seq.s32 @!p0 s5, $0x0  }
0x1f: {  	s9 =	smul.u32 $0xF7A, s1;
	s8 =	simm.s32 @!p0 $0x1BF5;
	p2 =	por !p2, p0  }
0x20: {  	[sflag:s8] =	ssyncset.s32 @!p0 $0xFFFFF086;
	s6 =	sadd.s32 @!p0 s3, s7;
	s7 =	simm.s32 @!p0 $0x108  }
0x21: {  	s3 =	sadd.s32 s3, s9;
	s6 =	sadd.s32 @!p0 $0x88, s6;
	s7 =	simm.s32 @p2 $0x1082  }
0x22: {  	[simem:s7], [sflag:s8] =	dma.local @!p0 [hbm:s6], $0xF7A  }
0x23: {  	s9 =	sor.u32 $0xD0000000, s2;
	s6 =	simm.s32 $0x108;
	_ =	swait.ge @!p0 [sflag:s8], $0x0  }
0x24: {  	s3 =	sadd.s32 $0x88, s3;
	s6 =	simm.s32 @!p1 $0x1082;
	[sflag:s4] =	ssyncset.s32 $0xFFFFF086  }
0x25: {  	[simem:s6], [sflag:s4] =	dma.local [hbm:s3], $0xF7A  }
0x26: {  	[smem:$0x3F9E] =	sst s1;
	(tag) =	ssettag s2;
	_ =	strace s9  }
0x27: {  	s1 =	sld [smem:$0x3FAE]  }
0x28: {  	s2 =	sld [smem:$0x3FAF]  }
0x29: {  	s4 =	sld [smem:$0x3FB1]  }
0x2a: {  	p0 =	seq.s32 s5, $0x0;
	s5 =	sld [smem:$0x3FB2]  }
0x2b: {  	s6 =	sld [smem:$0x3FB3]  }
0x2c: {  	s7 =	sld [smem:$0x3FB4]  }
0x2d: {  	s3 =	simm.s32 $0x108;
	s8 =	sld [smem:$0x3FB5]  }
0x2e: {  	s3 =	simm.s32 @!p0 $0x1082;
	s9 =	sld [smem:$0x3FB6]  }
0x2f: {  	lr =	sadd.s32 s0, s3;
	s0 =	sld [smem:$0x3FAD]  }
0x30: {  	s3 =	sld [smem:$0x3FB0]  }
0x31: {  	[smem:$0x3FB9] =	sst s10  }
0x32: {  	s10 =	sld [smem:$0x3FB7];
	_ =	sdelay $0x3  }
0x33: {  	p0 =	seq.s32 s10, $0x1;
	s10 =	sld [smem:$0x3FB9];
	_ =	sdelay $0x3  }
0x34: {  	[smem:$0x3FB9] =	sst s10  }
0x35: {  	s10 =	sld [smem:$0x3FB8];
	_ =	sdelay $0x3  }
0x36: {  	p1 =	seq.s32 s10, $0x1;
	s10 =	sld [smem:$0x3FB9];
	_ =	sdelay $0x3  }
0x37: {  	[smem:$0x3FB9] =	sst s10  }
0x38: {  	s10 =	sld [smem:$0x3FBA]  }
0x39: {  	_ = 	snop;
	(pc) =	sbr.ind lr, $3  }
0x3a: {  	_ = 	snop  }
0x3b: {  	_ = 	snop  }
0x3c: {  	p2 =	seq.s32 s10, $0x1;
	s10 =	sld [smem:$0x3FB9]  }
0x3d: {  	_ =	shalt  }
0x3e: {  	_ =	shalt  }
0x3f: {  	_ =	shalt  }
0x40: {  	_ =	shalt  }
0x41: {  	_ =	shalt  }
0x42: {  	_ =	shalt  }
0x43: {  	_ =	shalt  }
0x44: {  	_ =	shalt  }
0x45: {  	_ =	shalt  }
0x46: {  	_ =	shalt  }
0x47: {  	_ =	shalt  }
0x48: {  	_ =	shalt  }
0x49: {  	_ =	shalt  }
0x4a: {  	_ =	shalt  }
0x4b: {  	_ =	shalt  }
0x4c: {  	_ =	shalt  }
0x4d: {  	_ =	shalt  }
0x4e: {  	_ =	shalt  }
0x4f: {  	_ =	shalt  }
0x50: {  	_ =	shalt  }
0x51: {  	_ =	shalt  }
0x52: {  	_ =	shalt  }
0x53: {  	_ =	shalt  }
0x54: {  	_ =	shalt  }
0x55: {  	_ =	shalt  }
0x56: {  	_ =	shalt  }
0x57: {  	_ =	shalt  }
0x58: {  	_ =	shalt  }
0x59: {  	_ =	shalt  }
0x5a: {  	_ =	shalt  }
0x5b: {  	_ =	shalt  }
0x5c: {  	_ =	shalt  }
0x5d: {  	_ =	shalt  }
0x5e: {  	_ =	shalt  }
0x5f: {  	_ =	shalt  }
0x60: {  	_ =	shalt  }
0x61: {  	_ =	shalt  }
0x62: {  	_ =	shalt  }
0x63: {  	_ =	shalt  }
0x64: {  	_ =	shalt  }
0x65: {  	_ =	shalt  }
0x66: {  	_ =	shalt  }
0x67: {  	_ =	shalt  }
0x68: {  	_ =	shalt  }
0x69: {  	_ =	shalt  }
0x6a: {  	_ =	shalt  }
0x6b: {  	_ =	shalt  }
0x6c: {  	_ =	shalt  }
0x6d: {  	_ =	shalt  }
0x6e: {  	_ =	shalt  }
0x6f: {  	_ =	shalt  }
0x70: {  	_ =	shalt  }
0x71: {  	_ =	shalt  }
0x72: {  	_ =	shalt  }
0x73: {  	_ =	shalt  }
0x74: {  	_ =	shalt  }
0x75: {  	_ =	shalt  }
0x76: {  	_ =	shalt  }
0x77: {  	_ =	shalt  }
0x78: {  	_ =	shalt  }
0x79: {  	_ =	shalt  }
0x7a: {  	_ =	shalt  }
0x7b: {  	_ =	shalt  }
0x7c: {  	_ =	shalt  }
0x7d: {  	_ =	shalt  }
0x7e: {  	_ =	shalt  }
0x7f: {  	_ =	shalt  }
0x80: {  	_ =	shalt  }
0x81: {  	_ =	shalt  }
0x82: {  	_ =	shalt  }
0x83: {  	_ =	shalt  }
0x84: {  	_ =	shalt  }
0x85: {  	_ =	shalt  }
0x86: {  	_ =	shalt  }
0x87: {  	_ =	shalt  }
.Lfunc_end0:
.L_simem_size_0:
called_computation_lowered:
.L_overlay_start_0:
0x88: {  	s2 =	sld [smem:$0x3FD9]  }
0x89: {  	s3 =	sld [smem:$0x3FFE];
	_ =	sdelay $0x1  }
0x8a: {  	s1 =	srdreg.scid  }
0x8b: {  	s0 =	sand.u32 $0x1, s1  }
0x8c: {  	s17 =	sshll.u32 s0, $0xA;
	s2 =	sadd.s32 s3, s2  }
0x8d: {  	s2 =	sadd.s32 s2, s17  }
0x8e: {  	[smem:$0x3FC5] =	sst s2  }
0x8f: {  	_ = 	snop  }
0x90: {  	s2 =	sld [smem:$0x3FC9]  }
0x91: {  	s18 =	sld [smem:$0x3FC7];
	(tm) =	ssettm $0x1  }
0x92: {  	s4 =	sld [smem:$0x3FFB];
	_ =	sdelay $0x3  }
0x93: {  	_ =	strace s4  }
0x94: {  	s4 =	sld [smem:$0x3FFC];
	_ =	sdelay $0x3  }
0x95: {  	_ =	strace s4  }
0x96: {  	s4 =	sld [smem:$0x3FFD];
	_ =	sdelay $0x3  }
0x97: {  	_ =	strace s4  }
0x98: {  	_ =	strace $0x8FFFFFFF  }
0x99: {  	s19 =	sld [smem:$0x3FDB];
	_ =	sdelay $0x1  }
0x9a: {  	s5 =	simm.s32 $_scs_section_size  }
0x9b: {  	s6 =	simm.s32 $_size__tile_overlayer_lowered;
	s7 =	simm.s32 $_tile_overlayer_lowered  }
0x9c: {  	s22 =	simm.s32 $0x1BFF;
	s21 =	sshll.u32 s7, $0x1;
	s4 =	sadd.s32 s5, s19  }
0x9d: {  	s8 =	simm.s32 $0x0;
	s20 =	sshll.u32 s6, $0x1;
	s6 =	sadd.s32 s21, s4  }
0x9e: {  	[timem:s8], [sflag:s22] =	dma.local [hbm:s6], s20  }
0x9f: {  	_ =	swait.ge [sflag:s22], s20  }
0xa0: {  	s5 =	ssub.s32 $0x0, s20;
	[sflag:s22] =	ssyncset.done $0x0  }
0xa1: {  	[sflag:s22] =	ssyncadd.s32 s5;
	_ =	sdelay $0x1  }
0xa2: {  	s23 =	simm.s32 $0x1B8B  }
0xa3: {  	_ =	swait.ge [sflag:s23], $0x1  }
0xa4: {  	[sflag:s23] =	ssyncset.done $0x0  }
0xa5: {  	s25 =	simm.s32 $0x1B8E;
	s24 =	sld [smem:$0x3FFE];
	[sflag:s23] =	ssyncadd.s32 $0xFFFFFFFF  }
0xa6: {  	s26 =	simm.s32 $execute0_lowered;
	[smem:$0x3FD2] =	sst s25  }
0xa7: {  	s6 =	sshll.u32 s26, $0x1;
	_ =	strace $0x80000046;
	[dreg:$0x1] =	wrdreg $0xFFFFFFFF  }
0xa8: {  	s28 =	simm.s32 $_size_execute0_lowered;
	s4 =	sadd.s32 s4, s6;
	[dreg:$0x0] =	wrdreg $0x0  }
0xa9: {  	s6 =	sshll.u32 s28, $0x1;
	[dreg:$0x2] =	wrdreg s4  }
0xaa: {  	[dreg:$0x3] =	wrdreg s6  }
0xab: {  	[dreg:$0x4] =	wrdreg $0xC0  }
0xac: {  	_ =	task [dreg:s8], $0x5FFFF  }
0xad: {  	[dreg:$0x1] =	wrdreg $0xFFFFFFFF  }
0xae: {  	[dreg:$0x0] =	wrdreg $0x60  }
0xaf: {  	[dreg:$0x2] =	wrdreg s2  }
0xb0: {  	[dreg:$0x3] =	wrdreg s24  }
0xb1: {  	[dreg:$0x4] =	wrdreg s18  }
0xb2: {  	[dreg:$0x5] =	wrdreg $0x9  }
0xb3: {  	_ =	task.clear_ibuf [dreg:s8], $0x6FFFF;
	_ =	strace $0x90000046  }
0xb4: {  	s29 =	simm.s32 $0x9;
	_ =	strace $0x80000048  }
0xb5: {  	_ =	swait.ge [sflag:s29], $0x1  }
0xb6: {  	[sflag:s29] =	ssyncadd.s32 $0xFFFFFFFF  }
0xb7: {  	_ =	strace $0x90000048  }
0xb8: {  	_ =	sfence  }
0xb9: {  	s30 =	sld [smem:$0x0];
	_ =	sdelay $0x2  }
0xba: {  	s31 =	sshll.u32 s1, $0xD;
	s1 =	sshrl.u32 s1, $0x2  }
0xbb: {  	s3 =	sand.u32 $0x4000, s31;
	s1 =	sadd.s32 s1, s30  }
0xbc: {  	s0 =	sor.u32 s3, s0;
	s1 =	sshll.u32 s1, $0x11  }
0xbd: {  	s0 =	sor.u32 s1, s0  }
0xbe: {  	s0 =	sadd.s32 $0x8F2B, s0  }
0xbf: {  	[sflag:s0] =	ssyncadd.remote.s32 $0x1  }
0xc0: {  	_ =	sfence.sel $0xFFFF  }
0xc1: {  	[dreg:$0x0] =	wrdreg $0xFFFFFFFF;
	(pc) =	sbr.abs _section_cstart, $3  }
0xc2: {  	[dreg:$0x1] =	wrdreg $0xFFFFFFFF  }
0xc3: {  	_ =	task.clear_ibuf [dreg:s8], $0x2FFFF;
	_ =	strace $0x9FFFFFFF  }
0xc4: {  	(tm) =	ssettm $0x7FFFFFFF  }
0xc5: {  	_ =	shalt  }
tec
execute0_lowered:
.L_overlay_start_1:
0x0: {  	(tag) =	ssettag $0x1  }
0x1: {  	v0 =	vimm.s32 $0xB80  }
0x2: {  	vm14 =	vcmask $0x300;
	vm13 =	vcmask $0x704;
	vm12 =	vcmask $0xB08  }
0x3: {  	vm11 =	vcmask $0xF0C;
	vm10 =	vcmask $0x1310;
	vm9 =	vcmask $0x1714  }
0x4: {  	vm8 =	vcmask $0x1B18;
	vm7 =	vcmask $0x1F1C;
	vm6 =	vcmask $0x2320  }
0x5: {  	vm5 =	vcmask $0x2724;
	vm4 =	vcmask $0x2B28;
	vm3 =	vcmask $0x2F2C  }
0x6: {  	vm2 =	vcmask $0x3330;
	vm1 =	vcmask $0x3734;
	vm0 =	vcmask $0x3B38  }
0x7: {  	v1 =	vimm.s32 $0x1B80;
	v2 =	vimm.s32 $0x2B80;
	v3 =	vimm.s32 $0x3B80  }
0x8: {  	v0 =	vsel vm14, $0x0, v0;
	v1 =	vsel vm14, $0x1000, v1;
	v2 =	vsel vm14, $0x2000, v2  }
0x9: {  	v3 =	vsel vm14, $0x3000, v3;
	v0 =	vsel vm13, $0x80, v0;
	v1 =	vsel vm13, $0x1080, v1  }
0xa: {  	v2 =	vsel vm13, $0x2080, v2;
	v3 =	vsel vm13, $0x3080, v3;
	v0 =	vsel vm12, $0x100, v0  }
0xb: {  	v1 =	vsel vm12, $0x1100, v1;
	v2 =	vsel vm12, $0x2100, v2;
	v3 =	vsel vm12, $0x3100, v3  }
0xc: {  	v0 =	vsel vm11, $0x180, v0;
	v1 =	vsel vm11, $0x1180, v1;
	v2 =	vsel vm11, $0x2180, v2  }
0xd: {  	v3 =	vsel vm11, $0x3180, v3;
	v0 =	vsel vm10, $0x200, v0;
	v1 =	vsel vm10, $0x1200, v1  }
0xe: {  	s6 =	rddreg [dreg:$0x0];
	v2 =	vsel vm10, $0x2200, v2;
	v3 =	vsel vm10, $0x3200, v3;
	v0 =	vsel vm9, $0x280, v0  }
0xf: {  	s5 =	rddreg [dreg:$0x1];
	v1 =	vsel vm9, $0x1280, v1;
	v2 =	vsel vm9, $0x2280, v2;
	v3 =	vsel vm9, $0x3280, v3  }
0x10: {  	s1 =	rddreg [dreg:$0x2];
	v0 =	vsel vm8, $0x300, v0;
	v1 =	vsel vm8, $0x1300, v1;
	v2 =	vsel vm8, $0x2300, v2  }
0x11: {  	s0 =	rddreg [dreg:$0x3];
	s2 =	simm.s32 $0x0;
	s7 =	srdreg.scid;
	v3 =	vsel vm8, $0x3300, v3;
	v0 =	vsel vm7, $0x380, v0;
	v1 =	vsel vm7, $0x1380, v1  }
0x12: {  	s3 =	stileid.u32;
	s11 =	simm.s32 $0x3000;
	s12 =	simm.s32 $0x400;
	v2 =	vsel vm7, $0x2380, v2;
	v3 =	vsel vm7, $0x3380, v3;
	v0 =	vsel vm6, $0x800, v0  }
0x13: {  	s13 =	simm.s32 $0x8000;
	s14 =	simm.s32 $0x5;
	s15 =	simm.s32 $0x80;
	v1 =	vsel vm6, $0x1800, v1;
	v2 =	vsel vm6, $0x2800, v2;
	v3 =	vsel vm6, $0x3800, v3  }
0x14: {  	s16 =	simm.s32 $0x7000;
	s17 =	simm.s32 $0xB000;
	s18 =	simm.s32 $0x1;
	v0 =	vsel vm5, $0x880, v0;
	v1 =	vsel vm5, $0x1880, v1;
	v2 =	vsel vm5, $0x2880, v2  }
0x15: {  	s19 =	simm.s32 $0x2;
	s20 =	simm.s32 $0x3;
	s21 =	simm.s32 $0x4;
	v3 =	vsel vm5, $0x3880, v3;
	v0 =	vsel vm4, $0x900, v0;
	v1 =	vsel vm4, $0x1900, v1  }
0x16: {  	s22 =	simm.s32 $0x0;
	[smem:$0x7FF] =	sst s2;
	s4 =	sadd.s32 $0x800, s5;
	v2 =	vsel vm4, $0x2900, v2;
	v3 =	vsel vm4, $0x3900, v3;
	v0 =	vsel vm3, $0x980, v0  }
.Ltmp0:
0x17: {  	s7 =	sand.u32 $0x1, s7;
	s9 =	sshll.u32 s3, $0x8;
	v1 =	vsel vm3, $0x1980, v1;
	v2 =	vsel vm3, $0x2980, v2;
	v3 =	vsel vm3, $0x3980, v3;
	(pc) =	sbr.rel .LBB2_1-.Ltmp0, $4  }
0x18: {  	s5 =	sadd.s32 $0xF42C00, s5;
	s8 =	ssub.s32 $0x2, s7;
	s7 =	sshll.u32 s7, $0x7;
	v0 =	vsel vm2, $0xA00, v0;
	v1 =	vsel vm2, $0x1A00, v1;
	v2 =	vsel vm2, $0x2A00, v2  }
0x19: {  	_ =	strace $0x80000047;
	s10 =	sshrl.u32 s8, $0x1;
	s7 =	sor.u32 s7, s9;
	v3 =	vsel vm2, $0x3A00, v3;
	v0 =	vsel vm1, $0xA80, v0;
	v1 =	vsel vm1, $0x1A80, v1  }
0x1a: {  	s9 =	simm.s32 $0x800;
	s8 =	ssub.s32 s8, s10;
	s6 =	sadd.s32 s6, s7;
	v2 =	vsel vm1, $0x2A80, v2;
	v3 =	vsel vm1, $0x3A80, v3;
	v0 =	vsel vm0, $0xB00, v0  }
0x1b: {  	s7 =	sshll.u32 s7, $0x7;
	s10 =	simm.s32 $0x1000;
	s8 =	smax.u32 s8, $0x1;
	v1 =	vsel vm0, $0x1B00, v1;
	v2 =	vsel vm0, $0x2B00, v2;
	v3 =	vsel vm0, $0x3B00, v3  }
.LBB2_8:
0x1c: {  	s22 =	sadd.s32 $0x1, s22  }
0x1d: {  	_ =	swait.ge [sflag:s20], $0x4000;
	p0 =	sne.s32 s22, s8  }
.Ltmp1:
0x1e: {  	[sflag:s20] =	ssyncset.done $0x0;
	(pc) =	sbr.rel @!p0 .LBB2_9-.Ltmp1, $4  }
0x1f: {  	[sflag:s20] =	ssyncadd.s32 $0xFFFFC000  }
0x20: {  	_ =	swait.ge [sflag:s21], $0x4000  }
0x21: {  	[sflag:s21] =	ssyncset.done $0x0  }
0x22: {  	[sflag:s21] =	ssyncadd.s32 $0xFFFFC000  }
.LBB2_1:
0x23: {  	[tilespmem:s11], [sflag:$0x5] =	stream.strided.gather [hbm4b:s1+s9], $0x4000, s10, s9, $0x38;
	[tilespmem:$0xF000] =	vst v63  }
0x24: {  	_ = 	snop  }
0x25: {  	[tilespmem:s2], [sflag:$0x5] =	stream.strided.gather [hbm4b:s6+s12], $0x3000, s13, s12, $0x38;
	[tilespmem:$0xF000] =	vst v63  }
0x26: {  	_ =	swait.ge [sflag:s14], $0x4000  }
0x27: {  	[sflag:s14] =	ssyncset.done $0x0  }
0x28: {  	[sflag:s14] =	ssyncadd.s32 $0xFFFFC000  }
0x29: {  	_ =	swait.ge [sflag:s14], $0x3000  }
0x2a: {  	[sflag:s14] =	ssyncset.done $0x0  }
0x2b: {  	[sflag:s14] =	ssyncadd.s32 $0xFFFFD000  }
0x2c: {  	[tilespmem:s16], [sflag:$0x1] =	stream.indirect.gather [hbm4b:s4+s15], $0x80, s2, s15, $0xb8;
	[tilespmem:$0xF000] =	vst v63  }
0x2d: {  	s23 =	simm.s32 $0x0  }
0x2e: {  	[tilespmem:s17], [sflag:$0x2] =	stream.indirect.gather [hbm4b:s4+s15], $0x80, s15, s15, $0xb8;
	[tilespmem:$0xF000] =	vst v63  }
.LBB2_2:
0x2f: {  	s24 =	sshll.u32 s23, $0x1;
	_ =	swait.ge [sflag:s18], $0x4000  }
0x30: {  	p0 =	seq.s32 s23, $0x0;
	[sflag:s18] =	ssyncset.done $0x0;
	v4 =	vor.u32 s24, v0  }
0x31: {  	s25 =	simm.s32 @!p0 $0x3;
	v6 =	vor.u32 s24, v1;
	[sflag:s18] =	ssyncadd.s32 $0xFFFFC000  }
0x32: {  	v7 =	vor.u32 s24, v2;
	_ =	swait.ge @!p0 [sflag:s25], $0x4000  }
0x33: {  	v8 =	vor.u32 s24, v3;
	[sflag:s25] =	ssyncset.done @!p0 $0x0  }
0x34: {  	[sflag:s25] =	ssyncadd.s32 @!p0 $0xFFFFC000  }
0x35: {  	v5 =	vld.idx.msk [tilespmem:v4+s11+$0x0], $0xffff  }
0x36: {  	v4 =	vld.idx.msk [tilespmem:v6+s11+$0x0], $0xffff  }
0x37: {  	v6 =	vld.idx.msk [tilespmem:v7+s11+$0x0], $0xffff  }
0x38: {  	v7 =	vld.idx.msk [tilespmem:v8+s11+$0x0], $0xffff;
	_ =	sdelay $0x3  }
0x39: {  	s26 =	simm.s32 $0x200;
	s25 =	simm.s32 $0x0  }
.LBB2_3:
0x3a: {  	p1 =	sne.s32 s26, $0xFE00;
	[tilespmem:s25+$0x7030] =	vst.add.f32.msk $0xffff, v7;
	s28 =	smov.u32 s26;
	s26 =	sadd.s32 $0x200, s26  }
.Ltmp2:
0x3b: {  	[tilespmem:s25+$0x7020] =	vst.add.f32.msk $0xffff, v6;
	(pc) =	sbr.rel @p1 .LBB2_3-.Ltmp2, $3  }
0x3c: {  	[tilespmem:s25+$0x7000] =	vst.add.f32.msk $0xffff, v5  }
0x3d: {  	[tilespmem:s25+$0x7010] =	vst.add.f32.msk $0xffff, v4;
	_ =	sdelay $0x1  }
0x3e: {  	s25 =	sshra.s32 s28, $0x2  }
0x3f: {  	[tilespmem:s25+$0x7030] =	vst.add.f32.msk $0xffff, v7  }
0x40: {  	s26 =	sshll.u32 s23, $0x14;
	[tilespmem:s25+$0x7020] =	vst.add.f32.msk $0xffff, v6  }
0x41: {  	[tilespmem:s25+$0x7000] =	vst.add.f32.msk $0xffff, v5;
	p1 =	seq.s32 s23, $0x2F;
	s26 =	sor.u32 s7, s26  }
0x42: {  	[tilespmem:s25+$0x7010] =	vst.add.f32.msk $0xffff, v4;
	s25 =	sshll.u32 @!p1 s23, $0x8;
	s26 =	sshrl.u32 s26, $0x3  }
0x43: {  	s25 =	sand.u32 @!p1 $0x3FFFFF00, s25;
	s31 =	sadd.s32 s5, s26  }
0x44: {  	[hbm4b:s31+s2] =	stream.linear.scatter [tilespmem:s16], [sflag:$0x3], $0x4000, $0x38;
	[tilespmem:$0xF000] =	vst v63  }
0x45: {  	s28 =	simm.s32 @!p1 $0x7000;
	s25 =	sadd.s32 @!p1 $0x100, s25;
	s26 =	simm.s32 @!p1 $0x80  }
0x46: {  	[tilespmem:s28], [sflag:$0x1] =	stream.indirect.gather @!p1 [hbm4b:s4+s26], $0x80, s25, s26, $0xb8;
	[tilespmem:$0xF000] =	vst v63  }
0x47: {  	s24 =	sor.u32 $0x1, s24;
	_ =	swait.ge [sflag:s19], $0x4000  }
0x48: {  	v4 =	vor.u32 s24, v0;
	[sflag:s19] =	ssyncset.done $0x0  }
0x49: {  	v6 =	vor.u32 s24, v1;
	s25 =	simm.s32 @!p0 $0x4;
	[sflag:s19] =	ssyncadd.s32 $0xFFFFC000  }
0x4a: {  	v7 =	vor.u32 s24, v2;
	_ =	swait.ge @!p0 [sflag:s25], $0x4000  }
0x4b: {  	v8 =	vor.u32 s24, v3;
	[sflag:s25] =	ssyncset.done @!p0 $0x0  }
0x4c: {  	[sflag:s25] =	ssyncadd.s32 @!p0 $0xFFFFC000  }
0x4d: {  	v5 =	vld.idx.msk [tilespmem:v4+s11+$0x0], $0xffff  }
0x4e: {  	v4 =	vld.idx.msk [tilespmem:v6+s11+$0x0], $0xffff  }
0x4f: {  	v6 =	vld.idx.msk [tilespmem:v7+s11+$0x0], $0xffff  }
0x50: {  	v7 =	vld.idx.msk [tilespmem:v8+s11+$0x0], $0xffff;
	_ =	sdelay $0x3  }
0x51: {  	s26 =	simm.s32 $0x200;
	s25 =	simm.s32 $0x0  }
.LBB2_5:
0x52: {  	p0 =	sne.s32 s26, $0xFE00;
	[tilespmem:s25+$0xB030] =	vst.add.f32.msk $0xffff, v7;
	s28 =	smov.u32 s26;
	s26 =	sadd.s32 $0x200, s26  }
.Ltmp3:
0x53: {  	[tilespmem:s25+$0xB020] =	vst.add.f32.msk $0xffff, v6;
	(pc) =	sbr.rel @p0 .LBB2_5-.Ltmp3, $3  }
0x54: {  	[tilespmem:s25+$0xB000] =	vst.add.f32.msk $0xffff, v5  }
0x55: {  	[tilespmem:s25+$0xB010] =	vst.add.f32.msk $0xffff, v4;
	_ =	sdelay $0x1  }
0x56: {  	s25 =	sshra.s32 s28, $0x2  }
.Ltmp4:
0x57: {  	[tilespmem:s25+$0xB030] =	vst.add.f32.msk $0xffff, v7;
	s24 =	sshll.u32 s24, $0x13;
	(pc) =	sbr.rel @p1 .LBB2_8-.Ltmp4, $4  }
0x58: {  	[tilespmem:s25+$0xB020] =	vst.add.f32.msk $0xffff, v6;
	s24 =	sor.u32 s7, s24  }
0x59: {  	[tilespmem:s25+$0xB000] =	vst.add.f32.msk $0xffff, v5;
	s24 =	sshrl.u32 s24, $0x3  }
0x5a: {  	[tilespmem:s25+$0xB010] =	vst.add.f32.msk $0xffff, v4;
	s24 =	sadd.s32 s5, s24  }
0x5b: {  	[hbm4b:s24+s2] =	stream.linear.scatter [tilespmem:s17], [sflag:$0x4], $0x4000, $0x38;
	[tilespmem:$0xF000] =	vst v63  }
.Ltmp5:
0x5c: {  	(pc) =	sbr.rel .LBB2_2-.Ltmp5, $4  }
0x5d: {  	s24 =	sshll.u32 s23, $0x8  }
0x5e: {  	s24 =	sand.u32 $0x3FFFFF00, s24  }
0x5f: {  	s23 =	sadd.s32 $0x1, s23;
	s24 =	sadd.s32 $0x180, s24  }
0x60: {  	[tilespmem:s17], [sflag:$0x2] =	stream.indirect.gather [hbm4b:s4+s15], $0x80, s24, s15, $0xb8;
	[tilespmem:$0xF000] =	vst v63  }
.LBB2_9:
0x61: {  	_ =	sfence.sel $0x180000  }
0x62: {  	[bflag:$0x0] =	sbarrier.arrive $0xFFFF  }
0x63: {  	p0 =	sne.s32 s3, $0x0;
	_ =	strace $0x90000047  }
0x64: {  	s0 =	sadd.s32 @!p0 $0x100000, s0;
	[bflag:$0x2] =	sbarrier.arrive $0xFFFF  }
0x65: {  	[sflag:s0] =	ssyncadd.tile.s32 @!p0 $0x1;
	_ =	shalt  }
.Lfunc_end2:
_tile_overlayer_lowered:
.L_overlay_start_2:
0x66: {  	(tag) =	ssettag $0x2  }
0x67: {  	s0 =	rddreg [dreg:$0x0];
	s2 =	stileid.u32  }
0x68: {  	s1 =	rddreg [dreg:$0x1];
	p0 =	sne.s32 s2, $0x0  }
0x69: {  	s3 =	rddreg [dreg:$0x2];
	[bflag:$0x3] =	sbarrier.arrive $0xFFFF;
	s2 =	simm.s32 @!p0 $0x1C06  }
0x6a: {  	[timem:s3], [sflag:s2] =	dma.local @!p0 [hbm:s0], s1  }
0x6b: {  	s0 =	simm.s32 @!p0 $0x6  }
0x6c: {  	_ =	swait.ge @!p0 [sflag:s0], s1  }
0x6d: {  	s1 =	ssub.s32 @!p0 $0x0, s1;
	[sflag:s0] =	ssyncset.done @!p0 $0x0  }
0x6e: {  	[sflag:s0] =	ssyncadd.s32 @!p0 s1  }
0x6f: {  	[bflag:$0x3] =	sbarrier.arrive $0xFFFF  }
0x70: {  	_ =	shalt  }

</sc_bundles>
